<compile_context>
chip_gen: v7x
topology: tpu7x:2x2x1
jax: 0.10.2.dev20260603
libtpu: 0.0.44.dev20260713+nightly
codegen_flags: <defaults>
</compile_context>

<pallas_src>
import functools

import jax
import jax.numpy as jnp
from jax import lax
from jax.experimental import pallas as pl
from jax.experimental.pallas import tpu as pltpu
from jax.experimental.pallas import tpu_sc as plsc

_NUM_WORKERS = 32
_CHUNK = 128
_NBUF = 5


@functools.lru_cache(maxsize=None)
def _build(B, V, D):
  b_per_w = B // _NUM_WORKERS
  n_chunks = b_per_w // _CHUNK
  n_outer = n_chunks // _NBUF
  mesh = plsc.VectorSubcoreMesh(core_axis_name="c", subcore_axis_name="s")

  @functools.partial(
      pl.kernel,
      out_type=jax.ShapeDtypeStruct((B, D), jnp.float32),
      mesh=mesh,
      scratch_types=[
          pltpu.VMEM((b_per_w,), jnp.int32),
          pltpu.VMEM((_NBUF, _CHUNK, D), jnp.float32),
          pltpu.SemaphoreType.DMA((_NBUF,)),
          pltpu.SemaphoreType.DMA((_NBUF,)),
      ],
      compiler_params=pltpu.CompilerParams(use_tc_tiling_on_sc=True, needs_layout_passes=True),
  )
  def emb(ids_hbm, w_hbm, out_hbm, idx_v, rows_v, gsem, ssem):
    cid = lax.axis_index("c")
    sid = lax.axis_index("s")
    wid = sid * 2 + cid
    base = wid * b_per_w
    pltpu.sync_copy(ids_hbm.at[pl.ds(base, b_per_w)], idx_v)

    def idx_at(j):
      return idx_v.at[pl.ds(j * _CHUNK, _CHUNK)]

    def drain_gather(b):
      pltpu.make_async_copy(
          w_hbm.at[pl.ds(0, _CHUNK)], rows_v.at[b], gsem.at[b]).wait()

    def drain_write(b):
      pltpu.make_async_copy(
          rows_v.at[b], out_hbm.at[pl.ds(base, _CHUNK)], ssem.at[b]).wait()

    for b in range(_NBUF):
      pltpu.async_copy(w_hbm.at[idx_at(b)], rows_v.at[b], gsem.at[b])

    def outer(o, _):
      jo = o * _NBUF
      for b in range(_NBUF):
        drain_gather(b)
        pltpu.async_copy(
            rows_v.at[b],
            out_hbm.at[pl.ds(base + (jo + b) * _CHUNK, _CHUNK)],
            ssem.at[b])
      @pl.when(o + 1 < n_outer)
      def _():
        for b in range(_NBUF):
          drain_write(b)
          pltpu.async_copy(
              w_hbm.at[idx_at(jo + _NBUF + b)], rows_v.at[b], gsem.at[b])
      return 0

    lax.fori_loop(0, n_outer, outer, 0)
    for b in range(_NBUF):
      drain_write(b)

  return emb


def kernel(ids, weight):
  Bt, H = ids.shape
  V, D = weight.shape
  B = Bt * H
  flat = ids.astype(jnp.int32).reshape(B)
  out = _build(B, V, D)(flat, weight)
  return out.reshape(Bt, H, D)

# --- scband reference (transcript-rebuilt; emitter-appended) ---
"""Pipeline reference for scband-token-embedding-small-120259084697 (READ-ONLY COPY).

The authoritative reference and input builder live on the scoring server;
editing this copy changes nothing except your own understanding.
"""

import jax, jax.numpy as jnp
import numpy as np

VOCAB = 100000
HIDDEN = 128
BATCH = 4096
HIST = 50

def setup_inputs(seed: int = 0) -> dict:
    key = jax.random.key(seed)
    k_ids, k_w = jax.random.split(key)
    ids = jax.random.randint(k_ids, (BATCH, HIST), 0, VOCAB, dtype=jnp.int64 if jax.config.jax_enable_x64 else jnp.int32)
    weight = jax.random.normal(k_w, (VOCAB, HIDDEN), dtype=jnp.float32)
    return {"ids": ids, "weight": weight}

def reference(ids, weight):
    # Faithful translation of: return self.weight[ids]
    return jnp.take(weight, ids, axis=0)

if __name__ == "__main__":
    import jax
    _d = setup_inputs()
    print(jax.jit(kernel)(*tuple(_d.values())))

</pallas_src>

<mosaic_0001>
#map = affine_map<(d0, d1) -> (0)>
#map1 = affine_map<(d0, d1) -> (0, 0)>
module attributes {stable_mosaic.version = 14 : i64} {
  func.func @emb(%arg0: i32, %arg1: i32, %arg2: memref<204800xi32, #tpu.memory_space<hbm>>, %arg3: memref<100000x128xf32, #tpu.memory_space<hbm>>, %arg4: memref<204800x128xf32, #tpu.memory_space<hbm>>, %arg5: memref<6400xi32, #tpu.memory_space<vmem>>, %arg6: memref<5x128x128xf32, #tpu.memory_space<vmem>>, %arg7: memref<5x!tpu.dma_semaphore, #tpu.memory_space<semaphore_mem>>, %arg8: memref<5x!tpu.dma_semaphore, #tpu.memory_space<semaphore_mem>>) attributes {dimension_semantics = [#tpu.dimension_semantics<core_parallel>, #tpu.dimension_semantics<subcore_parallel>], iteration_bounds = array<i64: 2, 16>, scalar_prefetch = 0 : i64, scratch_operands = 4 : i64, tpu.core_type = #tpu.core_type<sc_vector_subcore>, window_params = [{transform_indices = #map}, {transform_indices = #map1}, {transform_indices = #map1}]} {
    %mul3A = arith.constant 2 : i32
    %mul3A_0 = arith.muli %arg1, %mul3A : i32
    %add3A = arith.addi %mul3A_0, %arg0 : i32
    %mul3A_1 = arith.constant 6400 : i32
    %mul3A_2 = arith.muli %add3A, %mul3A_1 : i32
    "tpu.region"() ({
      %run_scoped3A = tpu.sem_alloc : memref<!tpu.dma_semaphore, #tpu.memory_space<semaphore_mem>>
      %dma_start3A_152 = tpu.memref_slice %arg2[%mul3A_2] : memref<204800xi32, #tpu.memory_space<hbm>> -> memref<6400xi32, #tpu.memory_space<hbm>>
      %dma_start3A_153 = tpu.memref_slice %arg2[%mul3A_2] : memref<204800xi32, #tpu.memory_space<hbm>> -> memref<6400xi32, #tpu.memory_space<hbm>>
      tpu.enqueue_dma source(%dma_start3A_153 : memref<6400xi32, #tpu.memory_space<hbm>>) target(%arg5 : memref<6400xi32, #tpu.memory_space<vmem>>) target_semaphore(%run_scoped3A : memref<!tpu.dma_semaphore, #tpu.memory_space<semaphore_mem>>)
      %dma_wait3A_154 = tpu.memref_slice %arg2[%mul3A_2] : memref<204800xi32, #tpu.memory_space<hbm>> -> memref<6400xi32, #tpu.memory_space<hbm>>
      %dma_wait3A_155 = tpu.memref_slice %arg2[%mul3A_2] : memref<204800xi32, #tpu.memory_space<hbm>> -> memref<6400xi32, #tpu.memory_space<hbm>>
      tpu.wait_dma2 semaphore(%run_scoped3A : memref<!tpu.dma_semaphore, #tpu.memory_space<semaphore_mem>>) src(%dma_wait3A_155 : memref<6400xi32, #tpu.memory_space<hbm>>) dst(%arg5 : memref<6400xi32, #tpu.memory_space<vmem>>)
      tpu.yield
    }) : () -> ()
    %dma_start3A = arith.constant 0 : i32
    %dma_start3A_3 = arith.constant 0 : i32
    %dma_start3A_4 = arith.constant 0 : i32
    %dma_start3A_5 = arith.constant 0 : i32
    %dma_start3A_6 = tpu.memref_slice %arg6[%dma_start3A, %dma_start3A_4, %dma_start3A_5] : memref<5x128x128xf32, #tpu.memory_space<vmem>> -> memref<1x128x128xf32, #tpu.memory_space<vmem>>
    %dma_start3A_7 = tpu.memref_squeeze %dma_start3A_6 : memref<1x128x128xf32, #tpu.memory_space<vmem>> -> memref<128x128xf32, #tpu.memory_space<vmem>>
    %dma_start3A_8 = arith.constant 0 : i32
    %dma_start3A_9 = tpu.memref_slice %arg5[%dma_start3A_8] : memref<6400xi32, #tpu.memory_space<vmem>> -> memref<128xi32, #tpu.memory_space<vmem>>
    %dma_start3A_10 = arith.constant 0 : i32
    %dma_start3A_11 = arith.constant 0 : i32
    %dma_start3A_12 = tpu.memref_slice %arg3[%dma_start3A_10, %dma_start3A_11] : memref<100000x128xf32, #tpu.memory_space<hbm>> -> memref<100000x128xf32, #tpu.memory_space<hbm>>
    %dma_start3A_13 = tpu.memref_slice %arg7[%dma_start3A_3] : memref<5x!tpu.dma_semaphore, #tpu.memory_space<semaphore_mem>> -> memref<1x!tpu.dma_semaphore, #tpu.memory_space<semaphore_mem>>
    %dma_start3A_14 = tpu.memref_squeeze %dma_start3A_13 : memref<1x!tpu.dma_semaphore, #tpu.memory_space<semaphore_mem>> -> memref<!tpu.dma_semaphore, #tpu.memory_space<semaphore_mem>>
    tpu.enqueue_indirect_dma source(%dma_start3A_12 : memref<100000x128xf32, #tpu.memory_space<hbm>>) target(%dma_start3A_7 : memref<128x128xf32, #tpu.memory_space<vmem>>) offsets(%dma_start3A_9 : memref<128xi32, #tpu.memory_space<vmem>>) semaphore(%dma_start3A_14 : memref<!tpu.dma_semaphore, #tpu.memory_space<semaphore_mem>>)
    %dma_start3A_15 = arith.constant 1 : i32
    %dma_start3A_16 = arith.constant 1 : i32
    %dma_start3A_17 = arith.constant 0 : i32
    %dma_start3A_18 = arith.constant 0 : i32
    %dma_start3A_19 = tpu.memref_slice %arg6[%dma_start3A_15, %dma_start3A_17, %dma_start3A_18] : memref<5x128x128xf32, #tpu.memory_space<vmem>> -> memref<1x128x128xf32, #tpu.memory_space<vmem>>
    %dma_start3A_20 = tpu.memref_squeeze %dma_start3A_19 : memref<1x128x128xf32, #tpu.memory_space<vmem>> -> memref<128x128xf32, #tpu.memory_space<vmem>>
    %dma_start3A_21 = arith.constant 128 : i32
    %dma_start3A_22 = tpu.memref_slice %arg5[%dma_start3A_21] : memref<6400xi32, #tpu.memory_space<vmem>> -> memref<128xi32, #tpu.memory_space<vmem>>
    %dma_start3A_23 = arith.constant 0 : i32
    %dma_start3A_24 = arith.constant 0 : i32
    %dma_start3A_25 = tpu.memref_slice %arg3[%dma_start3A_23, %dma_start3A_24] : memref<100000x128xf32, #tpu.memory_space<hbm>> -> memref<100000x128xf32, #tpu.memory_space<hbm>>
    %dma_start3A_26 = tpu.memref_slice %arg7[%dma_start3A_16] : memref<5x!tpu.dma_semaphore, #tpu.memory_space<semaphore_mem>> -> memref<1x!tpu.dma_semaphore, #tpu.memory_space<semaphore_mem>>
    %dma_start3A_27 = tpu.memref_squeeze %dma_start3A_26 : memref<1x!tpu.dma_semaphore, #tpu.memory_space<semaphore_mem>> -> memref<!tpu.dma_semaphore, #tpu.memory_space<semaphore_mem>>
    tpu.enqueue_indirect_dma source(%dma_start3A_25 : memref<100000x128xf32, #tpu.memory_space<hbm>>) target(%dma_start3A_20 : memref<128x128xf32, #tpu.memory_space<vmem>>) offsets(%dma_start3A_22 : memref<128xi32, #tpu.memory_space<vmem>>) semaphore(%dma_start3A_27 : memref<!tpu.dma_semaphore, #tpu.memory_space<semaphore_mem>>)
    %dma_start3A_28 = arith.constant 2 : i32
    %dma_start3A_29 = arith.constant 2 : i32
    %dma_start3A_30 = arith.constant 0 : i32
    %dma_start3A_31 = arith.constant 0 : i32
    %dma_start3A_32 = tpu.memref_slice %arg6[%dma_start3A_28, %dma_start3A_30, %dma_start3A_31] : memref<5x128x128xf32, #tpu.memory_space<vmem>> -> memref<1x128x128xf32, #tpu.memory_space<vmem>>
    %dma_start3A_33 = tpu.memref_squeeze %dma_start3A_32 : memref<1x128x128xf32, #tpu.memory_space<vmem>> -> memref<128x128xf32, #tpu.memory_space<vmem>>
    %dma_start3A_34 = arith.constant 256 : i32
    %dma_start3A_35 = tpu.memref_slice %arg5[%dma_start3A_34] : memref<6400xi32, #tpu.memory_space<vmem>> -> memref<128xi32, #tpu.memory_space<vmem>>
    %dma_start3A_36 = arith.constant 0 : i32
    %dma_start3A_37 = arith.constant 0 : i32
    %dma_start3A_38 = tpu.memref_slice %arg3[%dma_start3A_36, %dma_start3A_37] : memref<100000x128xf32, #tpu.memory_space<hbm>> -> memref<100000x128xf32, #tpu.memory_space<hbm>>
    %dma_start3A_39 = tpu.memref_slice %arg7[%dma_start3A_29] : memref<5x!tpu.dma_semaphore, #tpu.memory_space<semaphore_mem>> -> memref<1x!tpu.dma_semaphore, #tpu.memory_space<semaphore_mem>>
    %dma_start3A_40 = tpu.memref_squeeze %dma_start3A_39 : memref<1x!tpu.dma_semaphore, #tpu.memory_space<semaphore_mem>> -> memref<!tpu.dma_semaphore, #tpu.memory_space<semaphore_mem>>
    tpu.enqueue_indirect_dma source(%dma_start3A_38 : memref<100000x128xf32, #tpu.memory_space<hbm>>) target(%dma_start3A_33 : memref<128x128xf32, #tpu.memory_space<vmem>>) offsets(%dma_start3A_35 : memref<128xi32, #tpu.memory_space<vmem>>) semaphore(%dma_start3A_40 : memref<!tpu.dma_semaphore, #tpu.memory_space<semaphore_mem>>)
    %dma_start3A_41 = arith.constant 3 : i32
    %dma_start3A_42 = arith.constant 3 : i32
    %dma_start3A_43 = arith.constant 0 : i32
    %dma_start3A_44 = arith.constant 0 : i32
    %dma_start3A_45 = tpu.memref_slice %arg6[%dma_start3A_41, %dma_start3A_43, %dma_start3A_44] : memref<5x128x128xf32, #tpu.memory_space<vmem>> -> memref<1x128x128xf32, #tpu.memory_space<vmem>>
    %dma_start3A_46 = tpu.memref_squeeze %dma_start3A_45 : memref<1x128x128xf32, #tpu.memory_space<vmem>> -> memref<128x128xf32, #tpu.memory_space<vmem>>
    %dma_start3A_47 = arith.constant 384 : i32
    %dma_start3A_48 = tpu.memref_slice %arg5[%dma_start3A_47] : memref<6400xi32, #tpu.memory_space<vmem>> -> memref<128xi32, #tpu.memory_space<vmem>>
    %dma_start3A_49 = arith.constant 0 : i32
    %dma_start3A_50 = arith.constant 0 : i32
    %dma_start3A_51 = tpu.memref_slice %arg3[%dma_start3A_49, %dma_start3A_50] : memref<100000x128xf32, #tpu.memory_space<hbm>> -> memref<100000x128xf32, #tpu.memory_space<hbm>>
    %dma_start3A_52 = tpu.memref_slice %arg7[%dma_start3A_42] : memref<5x!tpu.dma_semaphore, #tpu.memory_space<semaphore_mem>> -> memref<1x!tpu.dma_semaphore, #tpu.memory_space<semaphore_mem>>
    %dma_start3A_53 = tpu.memref_squeeze %dma_start3A_52 : memref<1x!tpu.dma_semaphore, #tpu.memory_space<semaphore_mem>> -> memref<!tpu.dma_semaphore, #tpu.memory_space<semaphore_mem>>
    tpu.enqueue_indirect_dma source(%dma_start3A_51 : memref<100000x128xf32, #tpu.memory_space<hbm>>) target(%dma_start3A_46 : memref<128x128xf32, #tpu.memory_space<vmem>>) offsets(%dma_start3A_48 : memref<128xi32, #tpu.memory_space<vmem>>) semaphore(%dma_start3A_53 : memref<!tpu.dma_semaphore, #tpu.memory_space<semaphore_mem>>)
    %dma_start3A_54 = arith.constant 4 : i32
    %dma_start3A_55 = arith.constant 4 : i32
    %dma_start3A_56 = arith.constant 0 : i32
    %dma_start3A_57 = arith.constant 0 : i32
    %dma_start3A_58 = tpu.memref_slice %arg6[%dma_start3A_54, %dma_start3A_56, %dma_start3A_57] : memref<5x128x128xf32, #tpu.memory_space<vmem>> -> memref<1x128x128xf32, #tpu.memory_space<vmem>>
    %dma_start3A_59 = tpu.memref_squeeze %dma_start3A_58 : memref<1x128x128xf32, #tpu.memory_space<vmem>> -> memref<128x128xf32, #tpu.memory_space<vmem>>
    %dma_start3A_60 = arith.constant 512 : i32
    %dma_start3A_61 = tpu.memref_slice %arg5[%dma_start3A_60] : memref<6400xi32, #tpu.memory_space<vmem>> -> memref<128xi32, #tpu.memory_space<vmem>>
    %dma_start3A_62 = arith.constant 0 : i32
    %dma_start3A_63 = arith.constant 0 : i32
    %dma_start3A_64 = tpu.memref_slice %arg3[%dma_start3A_62, %dma_start3A_63] : memref<100000x128xf32, #tpu.memory_space<hbm>> -> memref<100000x128xf32, #tpu.memory_space<hbm>>
    %dma_start3A_65 = tpu.memref_slice %arg7[%dma_start3A_55] : memref<5x!tpu.dma_semaphore, #tpu.memory_space<semaphore_mem>> -> memref<1x!tpu.dma_semaphore, #tpu.memory_space<semaphore_mem>>
    %dma_start3A_66 = tpu.memref_squeeze %dma_start3A_65 : memref<1x!tpu.dma_semaphore, #tpu.memory_space<semaphore_mem>> -> memref<!tpu.dma_semaphore, #tpu.memory_space<semaphore_mem>>
    tpu.enqueue_indirect_dma source(%dma_start3A_64 : memref<100000x128xf32, #tpu.memory_space<hbm>>) target(%dma_start3A_59 : memref<128x128xf32, #tpu.memory_space<vmem>>) offsets(%dma_start3A_61 : memref<128xi32, #tpu.memory_space<vmem>>) semaphore(%dma_start3A_66 : memref<!tpu.dma_semaphore, #tpu.memory_space<semaphore_mem>>)
    %scan3A = arith.constant 0 : i32
    %scan3A_67 = arith.constant 0 : i32
    %scan3A_68 = arith.constant 10 : i32
    %scan3A_69 = arith.addi %scan3A_67, %scan3A_68 : i32
    %scan3A_70 = arith.constant 1 : i32
    %scan3A_71 = scf.for %scan3A_152 = %scan3A_67 to %scan3A_69 step %scan3A_70 iter_args(%scan3A_153 = %scan3A) -> (i32)  : i32 {
      %mul3A_154 = arith.constant 5 : i32
      %mul3A_155 = arith.muli %scan3A_152, %mul3A_154 : i32
      %dma_wait3A_156 = arith.constant 0 : i32
      %dma_wait3A_157 = arith.constant 0 : i32
      %dma_wait3A_158 = arith.constant 0 : i32
      %dma_wait3A_159 = arith.constant 0 : i32
      %dma_wait3A_160 = tpu.memref_slice %arg6[%dma_wait3A_156, %dma_wait3A_158, %dma_wait3A_159] : memref<5x128x128xf32, #tpu.memory_space<vmem>> -> memref<1x128x128xf32, #tpu.memory_space<vmem>>
      %dma_wait3A_161 = tpu.memref_squeeze %dma_wait3A_160 : memref<1x128x128xf32, #tpu.memory_space<vmem>> -> memref<128x128xf32, #tpu.memory_space<vmem>>
      %dma_wait3A_162 = arith.constant 0 : i32
      %dma_wait3A_163 = arith.constant 0 : i32
      %dma_wait3A_164 = tpu.memref_slice %arg3[%dma_wait3A_162, %dma_wait3A_163] : memref<100000x128xf32, #tpu.memory_space<hbm>> -> memref<128x128xf32, #tpu.memory_space<hbm>>
      %dma_wait3A_165 = tpu.memref_slice %arg7[%dma_wait3A_157] : memref<5x!tpu.dma_semaphore, #tpu.memory_space<semaphore_mem>> -> memref<1x!tpu.dma_semaphore, #tpu.memory_space<semaphore_mem>>
      %dma_wait3A_166 = tpu.memref_squeeze %dma_wait3A_165 : memref<1x!tpu.dma_semaphore, #tpu.memory_space<semaphore_mem>> -> memref<!tpu.dma_semaphore, #tpu.memory_space<semaphore_mem>>
      %dma_wait3A_167 = arith.constant 0 : i32
      %dma_wait3A_168 = arith.constant 0 : i32
      %dma_wait3A_169 = tpu.memref_slice %arg6[%dma_wait3A_156, %dma_wait3A_167, %dma_wait3A_168] : memref<5x128x128xf32, #tpu.memory_space<vmem>> -> memref<1x128x128xf32, #tpu.memory_space<vmem>>
      %dma_wait3A_170 = tpu.memref_squeeze %dma_wait3A_169 : memref<1x128x128xf32, #tpu.memory_space<vmem>> -> memref<128x128xf32, #tpu.memory_space<vmem>>
      %dma_wait3A_171 = arith.constant 0 : i32
      %dma_wait3A_172 = arith.constant 0 : i32
      %dma_wait3A_173 = tpu.memref_slice %arg3[%dma_wait3A_171, %dma_wait3A_172] : memref<100000x128xf32, #tpu.memory_space<hbm>> -> memref<128x128xf32, #tpu.memory_space<hbm>>
      tpu.wait_dma2 semaphore(%dma_wait3A_166 : memref<!tpu.dma_semaphore, #tpu.memory_space<semaphore_mem>>) src(%dma_wait3A_173 : memref<128x128xf32, #tpu.memory_space<hbm>>) dst(%dma_wait3A_170 : memref<128x128xf32, #tpu.memory_space<vmem>>)
      %add3A_174 = arith.constant 0 : i32
      %add3A_175 = arith.addi %mul3A_155, %add3A_174 : i32
      %mul3A_176 = arith.constant 128 : i32
      %mul3A_177 = arith.muli %add3A_175, %mul3A_176 : i32
      %add3A_178 = arith.addi %mul3A_2, %mul3A_177 : i32
      %dma_start3A_179 = arith.constant 0 : i32
      %dma_start3A_180 = arith.constant 0 : i32
      %dma_start3A_181 = arith.constant 0 : i32
      %dma_start3A_182 = arith.constant 0 : i32
      %dma_start3A_183 = tpu.memref_slice %arg6[%dma_start3A_179, %dma_start3A_181, %dma_start3A_182] : memref<5x128x128xf32, #tpu.memory_space<vmem>> -> memref<1x128x128xf32, #tpu.memory_space<vmem>>
      %dma_start3A_184 = tpu.memref_squeeze %dma_start3A_183 : memref<1x128x128xf32, #tpu.memory_space<vmem>> -> memref<128x128xf32, #tpu.memory_space<vmem>>
      %dma_start3A_185 = arith.constant 0 : i32
      %dma_start3A_186 = tpu.memref_slice %arg4[%add3A_178, %dma_start3A_185] : memref<204800x128xf32, #tpu.memory_space<hbm>> -> memref<128x128xf32, #tpu.memory_space<hbm>>
      %dma_start3A_187 = tpu.memref_slice %arg8[%dma_start3A_180] : memref<5x!tpu.dma_semaphore, #tpu.memory_space<semaphore_mem>> -> memref<1x!tpu.dma_semaphore, #tpu.memory_space<semaphore_mem>>
      %dma_start3A_188 = tpu.memref_squeeze %dma_start3A_187 : memref<1x!tpu.dma_semaphore, #tpu.memory_space<semaphore_mem>> -> memref<!tpu.dma_semaphore, #tpu.memory_space<semaphore_mem>>
      %dma_start3A_189 = arith.constant 0 : i32
      %dma_start3A_190 = tpu.memref_slice %arg4[%add3A_178, %dma_start3A_189] : memref<204800x128xf32, #tpu.memory_space<hbm>> -> memref<128x128xf32, #tpu.memory_space<hbm>>
      %dma_start3A_191 = arith.constant 0 : i32
      %dma_start3A_192 = arith.constant 0 : i32
      %dma_start3A_193 = tpu.memref_slice %arg6[%dma_start3A_179, %dma_start3A_191, %dma_start3A_192] : memref<5x128x128xf32, #tpu.memory_space<vmem>> -> memref<1x128x128xf32, #tpu.memory_space<vmem>>
      %dma_start3A_194 = tpu.memref_squeeze %dma_start3A_193 : memref<1x128x128xf32, #tpu.memory_space<vmem>> -> memref<128x128xf32, #tpu.memory_space<vmem>>
      tpu.enqueue_dma source(%dma_start3A_194 : memref<128x128xf32, #tpu.memory_space<vmem>>) target(%dma_start3A_190 : memref<128x128xf32, #tpu.memory_space<hbm>>) target_semaphore(%dma_start3A_188 : memref<!tpu.dma_semaphore, #tpu.memory_space<semaphore_mem>>)
      %dma_wait3A_195 = arith.constant 1 : i32
      %dma_wait3A_196 = arith.constant 1 : i32
      %dma_wait3A_197 = arith.constant 0 : i32
      %dma_wait3A_198 = arith.constant 0 : i32
      %dma_wait3A_199 = tpu.memref_slice %arg6[%dma_wait3A_195, %dma_wait3A_197, %dma_wait3A_198] : memref<5x128x128xf32, #tpu.memory_space<vmem>> -> memref<1x128x128xf32, #tpu.memory_space<vmem>>
      %dma_wait3A_200 = tpu.memref_squeeze %dma_wait3A_199 : memref<1x128x128xf32, #tpu.memory_space<vmem>> -> memref<128x128xf32, #tpu.memory_space<vmem>>
      %dma_wait3A_201 = arith.constant 0 : i32
      %dma_wait3A_202 = arith.constant 0 : i32
      %dma_wait3A_203 = tpu.memref_slice %arg3[%dma_wait3A_201, %dma_wait3A_202] : memref<100000x128xf32, #tpu.memory_space<hbm>> -> memref<128x128xf32, #tpu.memory_space<hbm>>
      %dma_wait3A_204 = tpu.memref_slice %arg7[%dma_wait3A_196] : memref<5x!tpu.dma_semaphore, #tpu.memory_space<semaphore_mem>> -> memref<1x!tpu.dma_semaphore, #tpu.memory_space<semaphore_mem>>
      %dma_wait3A_205 = tpu.memref_squeeze %dma_wait3A_204 : memref<1x!tpu.dma_semaphore, #tpu.memory_space<semaphore_mem>> -> memref<!tpu.dma_semaphore, #tpu.memory_space<semaphore_mem>>
      %dma_wait3A_206 = arith.constant 0 : i32
      %dma_wait3A_207 = arith.constant 0 : i32
      %dma_wait3A_208 = tpu.memref_slice %arg6[%dma_wait3A_195, %dma_wait3A_206, %dma_wait3A_207] : memref<5x128x128xf32, #tpu.memory_space<vmem>> -> memref<1x128x128xf32, #tpu.memory_space<vmem>>
      %dma_wait3A_209 = tpu.memref_squeeze %dma_wait3A_208 : memref<1x128x128xf32, #tpu.memory_space<vmem>> -> memref<128x128xf32, #tpu.memory_space<vmem>>
      %dma_wait3A_210 = arith.constant 0 : i32
      %dma_wait3A_211 = arith.constant 0 : i32
      %dma_wait3A_212 = tpu.memref_slice %arg3[%dma_wait3A_210, %dma_wait3A_211] : memref<100000x128xf32, #tpu.memory_space<hbm>> -> memref<128x128xf32, #tpu.memory_space<hbm>>
      tpu.wait_dma2 semaphore(%dma_wait3A_205 : memref<!tpu.dma_semaphore, #tpu.memory_space<semaphore_mem>>) src(%dma_wait3A_212 : memref<128x128xf32, #tpu.memory_space<hbm>>) dst(%dma_wait3A_209 : memref<128x128xf32, #tpu.memory_space<vmem>>)
      %add3A_213 = arith.constant 1 : i32
      %add3A_214 = arith.addi %mul3A_155, %add3A_213 : i32
      %mul3A_215 = arith.constant 128 : i32
      %mul3A_216 = arith.muli %add3A_214, %mul3A_215 : i32
      %add3A_217 = arith.addi %mul3A_2, %mul3A_216 : i32
      %dma_start3A_218 = arith.constant 1 : i32
      %dma_start3A_219 = arith.constant 1 : i32
      %dma_start3A_220 = arith.constant 0 : i32
      %dma_start3A_221 = arith.constant 0 : i32
      %dma_start3A_222 = tpu.memref_slice %arg6[%dma_start3A_218, %dma_start3A_220, %dma_start3A_221] : memref<5x128x128xf32, #tpu.memory_space<vmem>> -> memref<1x128x128xf32, #tpu.memory_space<vmem>>
      %dma_start3A_223 = tpu.memref_squeeze %dma_start3A_222 : memref<1x128x128xf32, #tpu.memory_space<vmem>> -> memref<128x128xf32, #tpu.memory_space<vmem>>
      %dma_start3A_224 = arith.constant 0 : i32
      %dma_start3A_225 = tpu.memref_slice %arg4[%add3A_217, %dma_start3A_224] : memref<204800x128xf32, #tpu.memory_space<hbm>> -> memref<128x128xf32, #tpu.memory_space<hbm>>
      %dma_start3A_226 = tpu.memref_slice %arg8[%dma_start3A_219] : memref<5x!tpu.dma_semaphore, #tpu.memory_space<semaphore_mem>> -> memref<1x!tpu.dma_semaphore, #tpu.memory_space<semaphore_mem>>
      %dma_start3A_227 = tpu.memref_squeeze %dma_start3A_226 : memref<1x!tpu.dma_semaphore, #tpu.memory_space<semaphore_mem>> -> memref<!tpu.dma_semaphore, #tpu.memory_space<semaphore_mem>>
      %dma_start3A_228 = arith.constant 0 : i32
      %dma_start3A_229 = tpu.memref_slice %arg4[%add3A_217, %dma_start3A_228] : memref<204800x128xf32, #tpu.memory_space<hbm>> -> memref<128x128xf32, #tpu.memory_space<hbm>>
      %dma_start3A_230 = arith.constant 0 : i32
      %dma_start3A_231 = arith.constant 0 : i32
      %dma_start3A_232 = tpu.memref_slice %arg6[%dma_start3A_218, %dma_start3A_230, %dma_start3A_231] : memref<5x128x128xf32, #tpu.memory_space<vmem>> -> memref<1x128x128xf32, #tpu.memory_space<vmem>>
      %dma_start3A_233 = tpu.memref_squeeze %dma_start3A_232 : memref<1x128x128xf32, #tpu.memory_space<vmem>> -> memref<128x128xf32, #tpu.memory_space<vmem>>
      tpu.enqueue_dma source(%dma_start3A_233 : memref<128x128xf32, #tpu.memory_space<vmem>>) target(%dma_start3A_229 : memref<128x128xf32, #tpu.memory_space<hbm>>) target_semaphore(%dma_start3A_227 : memref<!tpu.dma_semaphore, #tpu.memory_space<semaphore_mem>>)
      %dma_wait3A_234 = arith.constant 2 : i32
      %dma_wait3A_235 = arith.constant 2 : i32
      %dma_wait3A_236 = arith.constant 0 : i32
      %dma_wait3A_237 = arith.constant 0 : i32
      %dma_wait3A_238 = tpu.memref_slice %arg6[%dma_wait3A_234, %dma_wait3A_236, %dma_wait3A_237] : memref<5x128x128xf32, #tpu.memory_space<vmem>> -> memref<1x128x128xf32, #tpu.memory_space<vmem>>
      %dma_wait3A_239 = tpu.memref_squeeze %dma_wait3A_238 : memref<1x128x128xf32, #tpu.memory_space<vmem>> -> memref<128x128xf32, #tpu.memory_space<vmem>>
      %dma_wait3A_240 = arith.constant 0 : i32
      %dma_wait3A_241 = arith.constant 0 : i32
      %dma_wait3A_242 = tpu.memref_slice %arg3[%dma_wait3A_240, %dma_wait3A_241] : memref<100000x128xf32, #tpu.memory_space<hbm>> -> memref<128x128xf32, #tpu.memory_space<hbm>>
      %dma_wait3A_243 = tpu.memref_slice %arg7[%dma_wait3A_235] : memref<5x!tpu.dma_semaphore, #tpu.memory_space<semaphore_mem>> -> memref<1x!tpu.dma_semaphore, #tpu.memory_space<semaphore_mem>>
      %dma_wait3A_244 = tpu.memref_squeeze %dma_wait3A_243 : memref<1x!tpu.dma_semaphore, #tpu.memory_space<semaphore_mem>> -> memref<!tpu.dma_semaphore, #tpu.memory_space<semaphore_mem>>
      %dma_wait3A_245 = arith.constant 0 : i32
      %dma_wait3A_246 = arith.constant 0 : i32
      %dma_wait3A_247 = tpu.memref_slice %arg6[%dma_wait3A_234, %dma_wait3A_245, %dma_wait3A_246] : memref<5x128x128xf32, #tpu.memory_space<vmem>> -> memref<1x128x128xf32, #tpu.memory_space<vmem>>
      %dma_wait3A_248 = tpu.memref_squeeze %dma_wait3A_247 : memref<1x128x128xf32, #tpu.memory_space<vmem>> -> memref<128x128xf32, #tpu.memory_space<vmem>>
      %dma_wait3A_249 = arith.constant 0 : i32
      %dma_wait3A_250 = arith.constant 0 : i32
      %dma_wait3A_251 = tpu.memref_slice %arg3[%dma_wait3A_249, %dma_wait3A_250] : memref<100000x128xf32, #tpu.memory_space<hbm>> -> memref<128x128xf32, #tpu.memory_space<hbm>>
      tpu.wait_dma2 semaphore(%dma_wait3A_244 : memref<!tpu.dma_semaphore, #tpu.memory_space<semaphore_mem>>) src(%dma_wait3A_251 : memref<128x128xf32, #tpu.memory_space<hbm>>) dst(%dma_wait3A_248 : memref<128x128xf32, #tpu.memory_space<vmem>>)
      %add3A_252 = arith.constant 2 : i32
      %add3A_253 = arith.addi %mul3A_155, %add3A_252 : i32
      %mul3A_254 = arith.constant 128 : i32
      %mul3A_255 = arith.muli %add3A_253, %mul3A_254 : i32
      %add3A_256 = arith.addi %mul3A_2, %mul3A_255 : i32
      %dma_start3A_257 = arith.constant 2 : i32
      %dma_start3A_258 = arith.constant 2 : i32
      %dma_start3A_259 = arith.constant 0 : i32
      %dma_start3A_260 = arith.constant 0 : i32
      %dma_start3A_261 = tpu.memref_slice %arg6[%dma_start3A_257, %dma_start3A_259, %dma_start3A_260] : memref<5x128x128xf32, #tpu.memory_space<vmem>> -> memref<1x128x128xf32, #tpu.memory_space<vmem>>
      %dma_start3A_262 = tpu.memref_squeeze %dma_start3A_261 : memref<1x128x128xf32, #tpu.memory_space<vmem>> -> memref<128x128xf32, #tpu.memory_space<vmem>>
      %dma_start3A_263 = arith.constant 0 : i32
      %dma_start3A_264 = tpu.memref_slice %arg4[%add3A_256, %dma_start3A_263] : memref<204800x128xf32, #tpu.memory_space<hbm>> -> memref<128x128xf32, #tpu.memory_space<hbm>>
      %dma_start3A_265 = tpu.memref_slice %arg8[%dma_start3A_258] : memref<5x!tpu.dma_semaphore, #tpu.memory_space<semaphore_mem>> -> memref<1x!tpu.dma_semaphore, #tpu.memory_space<semaphore_mem>>
      %dma_start3A_266 = tpu.memref_squeeze %dma_start3A_265 : memref<1x!tpu.dma_semaphore, #tpu.memory_space<semaphore_mem>> -> memref<!tpu.dma_semaphore, #tpu.memory_space<semaphore_mem>>
      %dma_start3A_267 = arith.constant 0 : i32
      %dma_start3A_268 = tpu.memref_slice %arg4[%add3A_256, %dma_start3A_267] : memref<204800x128xf32, #tpu.memory_space<hbm>> -> memref<128x128xf32, #tpu.memory_space<hbm>>
      %dma_start3A_269 = arith.constant 0 : i32
      %dma_start3A_270 = arith.constant 0 : i32
      %dma_start3A_271 = tpu.memref_slice %arg6[%dma_start3A_257, %dma_start3A_269, %dma_start3A_270] : memref<5x128x128xf32, #tpu.memory_space<vmem>> -> memref<1x128x128xf32, #tpu.memory_space<vmem>>
      %dma_start3A_272 = tpu.memref_squeeze %dma_start3A_271 : memref<1x128x128xf32, #tpu.memory_space<vmem>> -> memref<128x128xf32, #tpu.memory_space<vmem>>
      tpu.enqueue_dma source(%dma_start3A_272 : memref<128x128xf32, #tpu.memory_space<vmem>>) target(%dma_start3A_268 : memref<128x128xf32, #tpu.memory_space<hbm>>) target_semaphore(%dma_start3A_266 : memref<!tpu.dma_semaphore, #tpu.memory_space<semaphore_mem>>)
      %dma_wait3A_273 = arith.constant 3 : i32
      %dma_wait3A_274 = arith.constant 3 : i32
      %dma_wait3A_275 = arith.constant 0 : i32
      %dma_wait3A_276 = arith.constant 0 : i32
      %dma_wait3A_277 = tpu.memref_slice %arg6[%dma_wait3A_273, %dma_wait3A_275, %dma_wait3A_276] : memref<5x128x128xf32, #tpu.memory_space<vmem>> -> memref<1x128x128xf32, #tpu.memory_space<vmem>>
      %dma_wait3A_278 = tpu.memref_squeeze %dma_wait3A_277 : memref<1x128x128xf32, #tpu.memory_space<vmem>> -> memref<128x128xf32, #tpu.memory_space<vmem>>
      %dma_wait3A_279 = arith.constant 0 : i32
      %dma_wait3A_280 = arith.constant 0 : i32
      %dma_wait3A_281 = tpu.memref_slice %arg3[%dma_wait3A_279, %dma_wait3A_280] : memref<100000x128xf32, #tpu.memory_space<hbm>> -> memref<128x128xf32, #tpu.memory_space<hbm>>
      %dma_wait3A_282 = tpu.memref_slice %arg7[%dma_wait3A_274] : memref<5x!tpu.dma_semaphore, #tpu.memory_space<semaphore_mem>> -> memref<1x!tpu.dma_semaphore, #tpu.memory_space<semaphore_mem>>
      %dma_wait3A_283 = tpu.memref_squeeze %dma_wait3A_282 : memref<1x!tpu.dma_semaphore, #tpu.memory_space<semaphore_mem>> -> memref<!tpu.dma_semaphore, #tpu.memory_space<semaphore_mem>>
      %dma_wait3A_284 = arith.constant 0 : i32
      %dma_wait3A_285 = arith.constant 0 : i32
      %dma_wait3A_286 = tpu.memref_slice %arg6[%dma_wait3A_273, %dma_wait3A_284, %dma_wait3A_285] : memref<5x128x128xf32, #tpu.memory_space<vmem>> -> memref<1x128x128xf32, #tpu.memory_space<vmem>>
      %dma_wait3A_287 = tpu.memref_squeeze %dma_wait3A_286 : memref<1x128x128xf32, #tpu.memory_space<vmem>> -> memref<128x128xf32, #tpu.memory_space<vmem>>
      %dma_wait3A_288 = arith.constant 0 : i32
      %dma_wait3A_289 = arith.constant 0 : i32
      %dma_wait3A_290 = tpu.memref_slice %arg3[%dma_wait3A_288, %dma_wait3A_289] : memref<100000x128xf32, #tpu.memory_space<hbm>> -> memref<128x128xf32, #tpu.memory_space<hbm>>
      tpu.wait_dma2 semaphore(%dma_wait3A_283 : memref<!tpu.dma_semaphore, #tpu.memory_space<semaphore_mem>>) src(%dma_wait3A_290 : memref<128x128xf32, #tpu.memory_space<hbm>>) dst(%dma_wait3A_287 : memref<128x128xf32, #tpu.memory_space<vmem>>)
      %add3A_291 = arith.constant 3 : i32
      %add3A_292 = arith.addi %mul3A_155, %add3A_291 : i32
      %mul3A_293 = arith.constant 128 : i32
      %mul3A_294 = arith.muli %add3A_292, %mul3A_293 : i32
      %add3A_295 = arith.addi %mul3A_2, %mul3A_294 : i32
      %dma_start3A_296 = arith.constant 3 : i32
      %dma_start3A_297 = arith.constant 3 : i32
      %dma_start3A_298 = arith.constant 0 : i32
      %dma_start3A_299 = arith.constant 0 : i32
      %dma_start3A_300 = tpu.memref_slice %arg6[%dma_start3A_296, %dma_start3A_298, %dma_start3A_299] : memref<5x128x128xf32, #tpu.memory_space<vmem>> -> memref<1x128x128xf32, #tpu.memory_space<vmem>>
      %dma_start3A_301 = tpu.memref_squeeze %dma_start3A_300 : memref<1x128x128xf32, #tpu.memory_space<vmem>> -> memref<128x128xf32, #tpu.memory_space<vmem>>
      %dma_start3A_302 = arith.constant 0 : i32
      %dma_start3A_303 = tpu.memref_slice %arg4[%add3A_295, %dma_start3A_302] : memref<204800x128xf32, #tpu.memory_space<hbm>> -> memref<128x128xf32, #tpu.memory_space<hbm>>
      %dma_start3A_304 = tpu.memref_slice %arg8[%dma_start3A_297] : memref<5x!tpu.dma_semaphore, #tpu.memory_space<semaphore_mem>> -> memref<1x!tpu.dma_semaphore, #tpu.memory_space<semaphore_mem>>
      %dma_start3A_305 = tpu.memref_squeeze %dma_start3A_304 : memref<1x!tpu.dma_semaphore, #tpu.memory_space<semaphore_mem>> -> memref<!tpu.dma_semaphore, #tpu.memory_space<semaphore_mem>>
      %dma_start3A_306 = arith.constant 0 : i32
      %dma_start3A_307 = tpu.memref_slice %arg4[%add3A_295, %dma_start3A_306] : memref<204800x128xf32, #tpu.memory_space<hbm>> -> memref<128x128xf32, #tpu.memory_space<hbm>>
      %dma_start3A_308 = arith.constant 0 : i32
      %dma_start3A_309 = arith.constant 0 : i32
      %dma_start3A_310 = tpu.memref_slice %arg6[%dma_start3A_296, %dma_start3A_308, %dma_start3A_309] : memref<5x128x128xf32, #tpu.memory_space<vmem>> -> memref<1x128x128xf32, #tpu.memory_space<vmem>>
      %dma_start3A_311 = tpu.memref_squeeze %dma_start3A_310 : memref<1x128x128xf32, #tpu.memory_space<vmem>> -> memref<128x128xf32, #tpu.memory_space<vmem>>
      tpu.enqueue_dma source(%dma_start3A_311 : memref<128x128xf32, #tpu.memory_space<vmem>>) target(%dma_start3A_307 : memref<128x128xf32, #tpu.memory_space<hbm>>) target_semaphore(%dma_start3A_305 : memref<!tpu.dma_semaphore, #tpu.memory_space<semaphore_mem>>)
      %dma_wait3A_312 = arith.constant 4 : i32
      %dma_wait3A_313 = arith.constant 4 : i32
      %dma_wait3A_314 = arith.constant 0 : i32
      %dma_wait3A_315 = arith.constant 0 : i32
      %dma_wait3A_316 = tpu.memref_slice %arg6[%dma_wait3A_312, %dma_wait3A_314, %dma_wait3A_315] : memref<5x128x128xf32, #tpu.memory_space<vmem>> -> memref<1x128x128xf32, #tpu.memory_space<vmem>>
      %dma_wait3A_317 = tpu.memref_squeeze %dma_wait3A_316 : memref<1x128x128xf32, #tpu.memory_space<vmem>> -> memref<128x128xf32, #tpu.memory_space<vmem>>
      %dma_wait3A_318 = arith.constant 0 : i32
      %dma_wait3A_319 = arith.constant 0 : i32
      %dma_wait3A_320 = tpu.memref_slice %arg3[%dma_wait3A_318, %dma_wait3A_319] : memref<100000x128xf32, #tpu.memory_space<hbm>> -> memref<128x128xf32, #tpu.memory_space<hbm>>
      %dma_wait3A_321 = tpu.memref_slice %arg7[%dma_wait3A_313] : memref<5x!tpu.dma_semaphore, #tpu.memory_space<semaphore_mem>> -> memref<1x!tpu.dma_semaphore, #tpu.memory_space<semaphore_mem>>
      %dma_wait3A_322 = tpu.memref_squeeze %dma_wait3A_321 : memref<1x!tpu.dma_semaphore, #tpu.memory_space<semaphore_mem>> -> memref<!tpu.dma_semaphore, #tpu.memory_space<semaphore_mem>>
      %dma_wait3A_323 = arith.constant 0 : i32
      %dma_wait3A_324 = arith.constant 0 : i32
      %dma_wait3A_325 = tpu.memref_slice %arg6[%dma_wait3A_312, %dma_wait3A_323, %dma_wait3A_324] : memref<5x128x128xf32, #tpu.memory_space<vmem>> -> memref<1x128x128xf32, #tpu.memory_space<vmem>>
      %dma_wait3A_326 = tpu.memref_squeeze %dma_wait3A_325 : memref<1x128x128xf32, #tpu.memory_space<vmem>> -> memref<128x128xf32, #tpu.memory_space<vmem>>
      %dma_wait3A_327 = arith.constant 0 : i32
      %dma_wait3A_328 = arith.constant 0 : i32
      %dma_wait3A_329 = tpu.memref_slice %arg3[%dma_wait3A_327, %dma_wait3A_328] : memref<100000x128xf32, #tpu.memory_space<hbm>> -> memref<128x128xf32, #tpu.memory_space<hbm>>
      tpu.wait_dma2 semaphore(%dma_wait3A_322 : memref<!tpu.dma_semaphore, #tpu.memory_space<semaphore_mem>>) src(%dma_wait3A_329 : memref<128x128xf32, #tpu.memory_space<hbm>>) dst(%dma_wait3A_326 : memref<128x128xf32, #tpu.memory_space<vmem>>)
      %add3A_330 = arith.constant 4 : i32
      %add3A_331 = arith.addi %mul3A_155, %add3A_330 : i32
      %mul3A_332 = arith.constant 128 : i32
      %mul3A_333 = arith.muli %add3A_331, %mul3A_332 : i32
      %add3A_334 = arith.addi %mul3A_2, %mul3A_333 : i32
      %dma_start3A_335 = arith.constant 4 : i32
      %dma_start3A_336 = arith.constant 4 : i32
      %dma_start3A_337 = arith.constant 0 : i32
      %dma_start3A_338 = arith.constant 0 : i32
      %dma_start3A_339 = tpu.memref_slice %arg6[%dma_start3A_335, %dma_start3A_337, %dma_start3A_338] : memref<5x128x128xf32, #tpu.memory_space<vmem>> -> memref<1x128x128xf32, #tpu.memory_space<vmem>>
      %dma_start3A_340 = tpu.memref_squeeze %dma_start3A_339 : memref<1x128x128xf32, #tpu.memory_space<vmem>> -> memref<128x128xf32, #tpu.memory_space<vmem>>
      %dma_start3A_341 = arith.constant 0 : i32
      %dma_start3A_342 = tpu.memref_slice %arg4[%add3A_334, %dma_start3A_341] : memref<204800x128xf32, #tpu.memory_space<hbm>> -> memref<128x128xf32, #tpu.memory_space<hbm>>
      %dma_start3A_343 = tpu.memref_slice %arg8[%dma_start3A_336] : memref<5x!tpu.dma_semaphore, #tpu.memory_space<semaphore_mem>> -> memref<1x!tpu.dma_semaphore, #tpu.memory_space<semaphore_mem>>
      %dma_start3A_344 = tpu.memref_squeeze %dma_start3A_343 : memref<1x!tpu.dma_semaphore, #tpu.memory_space<semaphore_mem>> -> memref<!tpu.dma_semaphore, #tpu.memory_space<semaphore_mem>>
      %dma_start3A_345 = arith.constant 0 : i32
      %dma_start3A_346 = tpu.memref_slice %arg4[%add3A_334, %dma_start3A_345] : memref<204800x128xf32, #tpu.memory_space<hbm>> -> memref<128x128xf32, #tpu.memory_space<hbm>>
      %dma_start3A_347 = arith.constant 0 : i32
      %dma_start3A_348 = arith.constant 0 : i32
      %dma_start3A_349 = tpu.memref_slice %arg6[%dma_start3A_335, %dma_start3A_347, %dma_start3A_348] : memref<5x128x128xf32, #tpu.memory_space<vmem>> -> memref<1x128x128xf32, #tpu.memory_space<vmem>>
      %dma_start3A_350 = tpu.memref_squeeze %dma_start3A_349 : memref<1x128x128xf32, #tpu.memory_space<vmem>> -> memref<128x128xf32, #tpu.memory_space<vmem>>
      tpu.enqueue_dma source(%dma_start3A_350 : memref<128x128xf32, #tpu.memory_space<vmem>>) target(%dma_start3A_346 : memref<128x128xf32, #tpu.memory_space<hbm>>) target_semaphore(%dma_start3A_344 : memref<!tpu.dma_semaphore, #tpu.memory_space<semaphore_mem>>)
      %add3A_351 = arith.constant 1 : i32
      %add3A_352 = arith.addi %scan3A_152, %add3A_351 : i32
      %lt3A = arith.constant 10 : i32
      %lt3A_353 = arith.cmpi slt, %add3A_352, %lt3A : i32
      %convert_element_type3A = arith.extui %lt3A_353 : i1 to i32
      %cond3A = arith.constant 0 : i32
      %cond3A_354 = arith.cmpi ne, %convert_element_type3A, %cond3A : i32
      scf.if %cond3A_354 {
        %dma_wait3A_356 = arith.constant 0 : i32
        %dma_wait3A_357 = arith.constant 0 : i32
        %dma_wait3A_358 = arith.constant 0 : i32
        %dma_wait3A_359 = arith.constant 0 : i32
        %dma_wait3A_360 = tpu.memref_slice %arg6[%dma_wait3A_356, %dma_wait3A_358, %dma_wait3A_359] : memref<5x128x128xf32, #tpu.memory_space<vmem>> -> memref<1x128x128xf32, #tpu.memory_space<vmem>>
        %dma_wait3A_361 = tpu.memref_squeeze %dma_wait3A_360 : memref<1x128x128xf32, #tpu.memory_space<vmem>> -> memref<128x128xf32, #tpu.memory_space<vmem>>
        %dma_wait3A_362 = arith.constant 0 : i32
        %dma_wait3A_363 = tpu.memref_slice %arg4[%mul3A_2, %dma_wait3A_362] : memref<204800x128xf32, #tpu.memory_space<hbm>> -> memref<128x128xf32, #tpu.memory_space<hbm>>
        %dma_wait3A_364 = tpu.memref_slice %arg8[%dma_wait3A_357] : memref<5x!tpu.dma_semaphore, #tpu.memory_space<semaphore_mem>> -> memref<1x!tpu.dma_semaphore, #tpu.memory_space<semaphore_mem>>
        %dma_wait3A_365 = tpu.memref_squeeze %dma_wait3A_364 : memref<1x!tpu.dma_semaphore, #tpu.memory_space<semaphore_mem>> -> memref<!tpu.dma_semaphore, #tpu.memory_space<semaphore_mem>>
        %dma_wait3A_366 = arith.constant 0 : i32
        %dma_wait3A_367 = tpu.memref_slice %arg4[%mul3A_2, %dma_wait3A_366] : memref<204800x128xf32, #tpu.memory_space<hbm>> -> memref<128x128xf32, #tpu.memory_space<hbm>>
        %dma_wait3A_368 = arith.constant 0 : i32
        %dma_wait3A_369 = arith.constant 0 : i32
        %dma_wait3A_370 = tpu.memref_slice %arg6[%dma_wait3A_356, %dma_wait3A_368, %dma_wait3A_369] : memref<5x128x128xf32, #tpu.memory_space<vmem>> -> memref<1x128x128xf32, #tpu.memory_space<vmem>>
        %dma_wait3A_371 = tpu.memref_squeeze %dma_wait3A_370 : memref<1x128x128xf32, #tpu.memory_space<vmem>> -> memref<128x128xf32, #tpu.memory_space<vmem>>
        tpu.wait_dma2 semaphore(%dma_wait3A_365 : memref<!tpu.dma_semaphore, #tpu.memory_space<semaphore_mem>>) src(%dma_wait3A_371 : memref<128x128xf32, #tpu.memory_space<vmem>>) dst(%dma_wait3A_367 : memref<128x128xf32, #tpu.memory_space<hbm>>)
        %add3A_372 = arith.constant 5 : i32
        %add3A_373 = arith.addi %mul3A_155, %add3A_372 : i32
        %add3A_374 = arith.constant 0 : i32
        %add3A_375 = arith.addi %add3A_373, %add3A_374 : i32
        %mul3A_376 = arith.constant 128 : i32
        %mul3A_377 = arith.muli %add3A_375, %mul3A_376 : i32
        %dma_start3A_378 = arith.constant 0 : i32
        %dma_start3A_379 = arith.constant 0 : i32
        %dma_start3A_380 = arith.constant 0 : i32
        %dma_start3A_381 = arith.constant 0 : i32
        %dma_start3A_382 = tpu.memref_slice %arg6[%dma_start3A_378, %dma_start3A_380, %dma_start3A_381] : memref<5x128x128xf32, #tpu.memory_space<vmem>> -> memref<1x128x128xf32, #tpu.memory_space<vmem>>
        %dma_start3A_383 = tpu.memref_squeeze %dma_start3A_382 : memref<1x128x128xf32, #tpu.memory_space<vmem>> -> memref<128x128xf32, #tpu.memory_space<vmem>>
        %dma_start3A_384 = tpu.memref_slice %arg5[%mul3A_377] : memref<6400xi32, #tpu.memory_space<vmem>> -> memref<128xi32, #tpu.memory_space<vmem>>
        %dma_start3A_385 = arith.constant 0 : i32
        %dma_start3A_386 = arith.constant 0 : i32
        %dma_start3A_387 = tpu.memref_slice %arg3[%dma_start3A_385, %dma_start3A_386] : memref<100000x128xf32, #tpu.memory_space<hbm>> -> memref<100000x128xf32, #tpu.memory_space<hbm>>
        %dma_start3A_388 = tpu.memref_slice %arg7[%dma_start3A_379] : memref<5x!tpu.dma_semaphore, #tpu.memory_space<semaphore_mem>> -> memref<1x!tpu.dma_semaphore, #tpu.memory_space<semaphore_mem>>
        %dma_start3A_389 = tpu.memref_squeeze %dma_start3A_388 : memref<1x!tpu.dma_semaphore, #tpu.memory_space<semaphore_mem>> -> memref<!tpu.dma_semaphore, #tpu.memory_space<semaphore_mem>>
        tpu.enqueue_indirect_dma source(%dma_start3A_387 : memref<100000x128xf32, #tpu.memory_space<hbm>>) target(%dma_start3A_383 : memref<128x128xf32, #tpu.memory_space<vmem>>) offsets(%dma_start3A_384 : memref<128xi32, #tpu.memory_space<vmem>>) semaphore(%dma_start3A_389 : memref<!tpu.dma_semaphore, #tpu.memory_space<semaphore_mem>>)
        %dma_wait3A_390 = arith.constant 1 : i32
        %dma_wait3A_391 = arith.constant 1 : i32
        %dma_wait3A_392 = arith.constant 0 : i32
        %dma_wait3A_393 = arith.constant 0 : i32
        %dma_wait3A_394 = tpu.memref_slice %arg6[%dma_wait3A_390, %dma_wait3A_392, %dma_wait3A_393] : memref<5x128x128xf32, #tpu.memory_space<vmem>> -> memref<1x128x128xf32, #tpu.memory_space<vmem>>
        %dma_wait3A_395 = tpu.memref_squeeze %dma_wait3A_394 : memref<1x128x128xf32, #tpu.memory_space<vmem>> -> memref<128x128xf32, #tpu.memory_space<vmem>>
        %dma_wait3A_396 = arith.constant 0 : i32
        %dma_wait3A_397 = tpu.memref_slice %arg4[%mul3A_2, %dma_wait3A_396] : memref<204800x128xf32, #tpu.memory_space<hbm>> -> memref<128x128xf32, #tpu.memory_space<hbm>>
        %dma_wait3A_398 = tpu.memref_slice %arg8[%dma_wait3A_391] : memref<5x!tpu.dma_semaphore, #tpu.memory_space<semaphore_mem>> -> memref<1x!tpu.dma_semaphore, #tpu.memory_space<semaphore_mem>>
        %dma_wait3A_399 = tpu.memref_squeeze %dma_wait3A_398 : memref<1x!tpu.dma_semaphore, #tpu.memory_space<semaphore_mem>> -> memref<!tpu.dma_semaphore, #tpu.memory_space<semaphore_mem>>
        %dma_wait3A_400 = arith.constant 0 : i32
        %dma_wait3A_401 = tpu.memref_slice %arg4[%mul3A_2, %dma_wait3A_400] : memref<204800x128xf32, #tpu.memory_space<hbm>> -> memref<128x128xf32, #tpu.memory_space<hbm>>
        %dma_wait3A_402 = arith.constant 0 : i32
        %dma_wait3A_403 = arith.constant 0 : i32
        %dma_wait3A_404 = tpu.memref_slice %arg6[%dma_wait3A_390, %dma_wait3A_402, %dma_wait3A_403] : memref<5x128x128xf32, #tpu.memory_space<vmem>> -> memref<1x128x128xf32, #tpu.memory_space<vmem>>
        %dma_wait3A_405 = tpu.memref_squeeze %dma_wait3A_404 : memref<1x128x128xf32, #tpu.memory_space<vmem>> -> memref<128x128xf32, #tpu.memory_space<vmem>>
        tpu.wait_dma2 semaphore(%dma_wait3A_399 : memref<!tpu.dma_semaphore, #tpu.memory_space<semaphore_mem>>) src(%dma_wait3A_405 : memref<128x128xf32, #tpu.memory_space<vmem>>) dst(%dma_wait3A_401 : memref<128x128xf32, #tpu.memory_space<hbm>>)
        %add3A_406 = arith.constant 5 : i32
        %add3A_407 = arith.addi %mul3A_155, %add3A_406 : i32
        %add3A_408 = arith.constant 1 : i32
        %add3A_409 = arith.addi %add3A_407, %add3A_408 : i32
        %mul3A_410 = arith.constant 128 : i32
        %mul3A_411 = arith.muli %add3A_409, %mul3A_410 : i32
        %dma_start3A_412 = arith.constant 1 : i32
        %dma_start3A_413 = arith.constant 1 : i32
        %dma_start3A_414 = arith.constant 0 : i32
        %dma_start3A_415 = arith.constant 0 : i32
        %dma_start3A_416 = tpu.memref_slice %arg6[%dma_start3A_412, %dma_start3A_414, %dma_start3A_415] : memref<5x128x128xf32, #tpu.memory_space<vmem>> -> memref<1x128x128xf32, #tpu.memory_space<vmem>>
        %dma_start3A_417 = tpu.memref_squeeze %dma_start3A_416 : memref<1x128x128xf32, #tpu.memory_space<vmem>> -> memref<128x128xf32, #tpu.memory_space<vmem>>
        %dma_start3A_418 = tpu.memref_slice %arg5[%mul3A_411] : memref<6400xi32, #tpu.memory_space<vmem>> -> memref<128xi32, #tpu.memory_space<vmem>>
        %dma_start3A_419 = arith.constant 0 : i32
        %dma_start3A_420 = arith.constant 0 : i32
        %dma_start3A_421 = tpu.memref_slice %arg3[%dma_start3A_419, %dma_start3A_420] : memref<100000x128xf32, #tpu.memory_space<hbm>> -> memref<100000x128xf32, #tpu.memory_space<hbm>>
        %dma_start3A_422 = tpu.memref_slice %arg7[%dma_start3A_413] : memref<5x!tpu.dma_semaphore, #tpu.memory_space<semaphore_mem>> -> memref<1x!tpu.dma_semaphore, #tpu.memory_space<semaphore_mem>>
        %dma_start3A_423 = tpu.memref_squeeze %dma_start3A_422 : memref<1x!tpu.dma_semaphore, #tpu.memory_space<semaphore_mem>> -> memref<!tpu.dma_semaphore, #tpu.memory_space<semaphore_mem>>
        tpu.enqueue_indirect_dma source(%dma_start3A_421 : memref<100000x128xf32, #tpu.memory_space<hbm>>) target(%dma_start3A_417 : memref<128x128xf32, #tpu.memory_space<vmem>>) offsets(%dma_start3A_418 : memref<128xi32, #tpu.memory_space<vmem>>) semaphore(%dma_start3A_423 : memref<!tpu.dma_semaphore, #tpu.memory_space<semaphore_mem>>)
        %dma_wait3A_424 = arith.constant 2 : i32
        %dma_wait3A_425 = arith.constant 2 : i32
        %dma_wait3A_426 = arith.constant 0 : i32
        %dma_wait3A_427 = arith.constant 0 : i32
        %dma_wait3A_428 = tpu.memref_slice %arg6[%dma_wait3A_424, %dma_wait3A_426, %dma_wait3A_427] : memref<5x128x128xf32, #tpu.memory_space<vmem>> -> memref<1x128x128xf32, #tpu.memory_space<vmem>>
        %dma_wait3A_429 = tpu.memref_squeeze %dma_wait3A_428 : memref<1x128x128xf32, #tpu.memory_space<vmem>> -> memref<128x128xf32, #tpu.memory_space<vmem>>
        %dma_wait3A_430 = arith.constant 0 : i32
        %dma_wait3A_431 = tpu.memref_slice %arg4[%mul3A_2, %dma_wait3A_430] : memref<204800x128xf32, #tpu.memory_space<hbm>> -> memref<128x128xf32, #tpu.memory_space<hbm>>
        %dma_wait3A_432 = tpu.memref_slice %arg8[%dma_wait3A_425] : memref<5x!tpu.dma_semaphore, #tpu.memory_space<semaphore_mem>> -> memref<1x!tpu.dma_semaphore, #tpu.memory_space<semaphore_mem>>
        %dma_wait3A_433 = tpu.memref_squeeze %dma_wait3A_432 : memref<1x!tpu.dma_semaphore, #tpu.memory_space<semaphore_mem>> -> memref<!tpu.dma_semaphore, #tpu.memory_space<semaphore_mem>>
        %dma_wait3A_434 = arith.constant 0 : i32
        %dma_wait3A_435 = tpu.memref_slice %arg4[%mul3A_2, %dma_wait3A_434] : memref<204800x128xf32, #tpu.memory_space<hbm>> -> memref<128x128xf32, #tpu.memory_space<hbm>>
        %dma_wait3A_436 = arith.constant 0 : i32
        %dma_wait3A_437 = arith.constant 0 : i32
        %dma_wait3A_438 = tpu.memref_slice %arg6[%dma_wait3A_424, %dma_wait3A_436, %dma_wait3A_437] : memref<5x128x128xf32, #tpu.memory_space<vmem>> -> memref<1x128x128xf32, #tpu.memory_space<vmem>>
        %dma_wait3A_439 = tpu.memref_squeeze %dma_wait3A_438 : memref<1x128x128xf32, #tpu.memory_space<vmem>> -> memref<128x128xf32, #tpu.memory_space<vmem>>
        tpu.wait_dma2 semaphore(%dma_wait3A_433 : memref<!tpu.dma_semaphore, #tpu.memory_space<semaphore_mem>>) src(%dma_wait3A_439 : memref<128x128xf32, #tpu.memory_space<vmem>>) dst(%dma_wait3A_435 : memref<128x128xf32, #tpu.memory_space<hbm>>)
        %add3A_440 = arith.constant 5 : i32
        %add3A_441 = arith.addi %mul3A_155, %add3A_440 : i32
        %add3A_442 = arith.constant 2 : i32
        %add3A_443 = arith.addi %add3A_441, %add3A_442 : i32
        %mul3A_444 = arith.constant 128 : i32
        %mul3A_445 = arith.muli %add3A_443, %mul3A_444 : i32
        %dma_start3A_446 = arith.constant 2 : i32
        %dma_start3A_447 = arith.constant 2 : i32
        %dma_start3A_448 = arith.constant 0 : i32
        %dma_start3A_449 = arith.constant 0 : i32
        %dma_start3A_450 = tpu.memref_slice %arg6[%dma_start3A_446, %dma_start3A_448, %dma_start3A_449] : memref<5x128x128xf32, #tpu.memory_space<vmem>> -> memref<1x128x128xf32, #tpu.memory_space<vmem>>
        %dma_start3A_451 = tpu.memref_squeeze %dma_start3A_450 : memref<1x128x128xf32, #tpu.memory_space<vmem>> -> memref<128x128xf32, #tpu.memory_space<vmem>>
        %dma_start3A_452 = tpu.memref_slice %arg5[%mul3A_445] : memref<6400xi32, #tpu.memory_space<vmem>> -> memref<128xi32, #tpu.memory_space<vmem>>
        %dma_start3A_453 = arith.constant 0 : i32
        %dma_start3A_454 = arith.constant 0 : i32
        %dma_start3A_455 = tpu.memref_slice %arg3[%dma_start3A_453, %dma_start3A_454] : memref<100000x128xf32, #tpu.memory_space<hbm>> -> memref<100000x128xf32, #tpu.memory_space<hbm>>
        %dma_start3A_456 = tpu.memref_slice %arg7[%dma_start3A_447] : memref<5x!tpu.dma_semaphore, #tpu.memory_space<semaphore_mem>> -> memref<1x!tpu.dma_semaphore, #tpu.memory_space<semaphore_mem>>
        %dma_start3A_457 = tpu.memref_squeeze %dma_start3A_456 : memref<1x!tpu.dma_semaphore, #tpu.memory_space<semaphore_mem>> -> memref<!tpu.dma_semaphore, #tpu.memory_space<semaphore_mem>>
        tpu.enqueue_indirect_dma source(%dma_start3A_455 : memref<100000x128xf32, #tpu.memory_space<hbm>>) target(%dma_start3A_451 : memref<128x128xf32, #tpu.memory_space<vmem>>) offsets(%dma_start3A_452 : memref<128xi32, #tpu.memory_space<vmem>>) semaphore(%dma_start3A_457 : memref<!tpu.dma_semaphore, #tpu.memory_space<semaphore_mem>>)
        %dma_wait3A_458 = arith.constant 3 : i32
        %dma_wait3A_459 = arith.constant 3 : i32
        %dma_wait3A_460 = arith.constant 0 : i32
        %dma_wait3A_461 = arith.constant 0 : i32
        %dma_wait3A_462 = tpu.memref_slice %arg6[%dma_wait3A_458, %dma_wait3A_460, %dma_wait3A_461] : memref<5x128x128xf32, #tpu.memory_space<vmem>> -> memref<1x128x128xf32, #tpu.memory_space<vmem>>
        %dma_wait3A_463 = tpu.memref_squeeze %dma_wait3A_462 : memref<1x128x128xf32, #tpu.memory_space<vmem>> -> memref<128x128xf32, #tpu.memory_space<vmem>>
        %dma_wait3A_464 = arith.constant 0 : i32
        %dma_wait3A_465 = tpu.memref_slice %arg4[%mul3A_2, %dma_wait3A_464] : memref<204800x128xf32, #tpu.memory_space<hbm>> -> memref<128x128xf32, #tpu.memory_space<hbm>>
        %dma_wait3A_466 = tpu.memref_slice %arg8[%dma_wait3A_459] : memref<5x!tpu.dma_semaphore, #tpu.memory_space<semaphore_mem>> -> memref<1x!tpu.dma_semaphore, #tpu.memory_space<semaphore_mem>>
        %dma_wait3A_467 = tpu.memref_squeeze %dma_wait3A_466 : memref<1x!tpu.dma_semaphore, #tpu.memory_space<semaphore_mem>> -> memref<!tpu.dma_semaphore, #tpu.memory_space<semaphore_mem>>
        %dma_wait3A_468 = arith.constant 0 : i32
        %dma_wait3A_469 = tpu.memref_slice %arg4[%mul3A_2, %dma_wait3A_468] : memref<204800x128xf32, #tpu.memory_space<hbm>> -> memref<128x128xf32, #tpu.memory_space<hbm>>
        %dma_wait3A_470 = arith.constant 0 : i32
        %dma_wait3A_471 = arith.constant 0 : i32
        %dma_wait3A_472 = tpu.memref_slice %arg6[%dma_wait3A_458, %dma_wait3A_470, %dma_wait3A_471] : memref<5x128x128xf32, #tpu.memory_space<vmem>> -> memref<1x128x128xf32, #tpu.memory_space<vmem>>
        %dma_wait3A_473 = tpu.memref_squeeze %dma_wait3A_472 : memref<1x128x128xf32, #tpu.memory_space<vmem>> -> memref<128x128xf32, #tpu.memory_space<vmem>>
        tpu.wait_dma2 semaphore(%dma_wait3A_467 : memref<!tpu.dma_semaphore, #tpu.memory_space<semaphore_mem>>) src(%dma_wait3A_473 : memref<128x128xf32, #tpu.memory_space<vmem>>) dst(%dma_wait3A_469 : memref<128x128xf32, #tpu.memory_space<hbm>>)
        %add3A_474 = arith.constant 5 : i32
        %add3A_475 = arith.addi %mul3A_155, %add3A_474 : i32
        %add3A_476 = arith.constant 3 : i32
        %add3A_477 = arith.addi %add3A_475, %add3A_476 : i32
        %mul3A_478 = arith.constant 128 : i32
        %mul3A_479 = arith.muli %add3A_477, %mul3A_478 : i32
        %dma_start3A_480 = arith.constant 3 : i32
        %dma_start3A_481 = arith.constant 3 : i32
        %dma_start3A_482 = arith.constant 0 : i32
        %dma_start3A_483 = arith.constant 0 : i32
        %dma_start3A_484 = tpu.memref_slice %arg6[%dma_start3A_480, %dma_start3A_482, %dma_start3A_483] : memref<5x128x128xf32, #tpu.memory_space<vmem>> -> memref<1x128x128xf32, #tpu.memory_space<vmem>>
        %dma_start3A_485 = tpu.memref_squeeze %dma_start3A_484 : memref<1x128x128xf32, #tpu.memory_space<vmem>> -> memref<128x128xf32, #tpu.memory_space<vmem>>
        %dma_start3A_486 = tpu.memref_slice %arg5[%mul3A_479] : memref<6400xi32, #tpu.memory_space<vmem>> -> memref<128xi32, #tpu.memory_space<vmem>>
        %dma_start3A_487 = arith.constant 0 : i32
        %dma_start3A_488 = arith.constant 0 : i32
        %dma_start3A_489 = tpu.memref_slice %arg3[%dma_start3A_487, %dma_start3A_488] : memref<100000x128xf32, #tpu.memory_space<hbm>> -> memref<100000x128xf32, #tpu.memory_space<hbm>>
        %dma_start3A_490 = tpu.memref_slice %arg7[%dma_start3A_481] : memref<5x!tpu.dma_semaphore, #tpu.memory_space<semaphore_mem>> -> memref<1x!tpu.dma_semaphore, #tpu.memory_space<semaphore_mem>>
        %dma_start3A_491 = tpu.memref_squeeze %dma_start3A_490 : memref<1x!tpu.dma_semaphore, #tpu.memory_space<semaphore_mem>> -> memref<!tpu.dma_semaphore, #tpu.memory_space<semaphore_mem>>
        tpu.enqueue_indirect_dma source(%dma_start3A_489 : memref<100000x128xf32, #tpu.memory_space<hbm>>) target(%dma_start3A_485 : memref<128x128xf32, #tpu.memory_space<vmem>>) offsets(%dma_start3A_486 : memref<128xi32, #tpu.memory_space<vmem>>) semaphore(%dma_start3A_491 : memref<!tpu.dma_semaphore, #tpu.memory_space<semaphore_mem>>)
        %dma_wait3A_492 = arith.constant 4 : i32
        %dma_wait3A_493 = arith.constant 4 : i32
        %dma_wait3A_494 = arith.constant 0 : i32
        %dma_wait3A_495 = arith.constant 0 : i32
        %dma_wait3A_496 = tpu.memref_slice %arg6[%dma_wait3A_492, %dma_wait3A_494, %dma_wait3A_495] : memref<5x128x128xf32, #tpu.memory_space<vmem>> -> memref<1x128x128xf32, #tpu.memory_space<vmem>>
        %dma_wait3A_497 = tpu.memref_squeeze %dma_wait3A_496 : memref<1x128x128xf32, #tpu.memory_space<vmem>> -> memref<128x128xf32, #tpu.memory_space<vmem>>
        %dma_wait3A_498 = arith.constant 0 : i32
        %dma_wait3A_499 = tpu.memref_slice %arg4[%mul3A_2, %dma_wait3A_498] : memref<204800x128xf32, #tpu.memory_space<hbm>> -> memref<128x128xf32, #tpu.memory_space<hbm>>
        %dma_wait3A_500 = tpu.memref_slice %arg8[%dma_wait3A_493] : memref<5x!tpu.dma_semaphore, #tpu.memory_space<semaphore_mem>> -> memref<1x!tpu.dma_semaphore, #tpu.memory_space<semaphore_mem>>
        %dma_wait3A_501 = tpu.memref_squeeze %dma_wait3A_500 : memref<1x!tpu.dma_semaphore, #tpu.memory_space<semaphore_mem>> -> memref<!tpu.dma_semaphore, #tpu.memory_space<semaphore_mem>>
        %dma_wait3A_502 = arith.constant 0 : i32
        %dma_wait3A_503 = tpu.memref_slice %arg4[%mul3A_2, %dma_wait3A_502] : memref<204800x128xf32, #tpu.memory_space<hbm>> -> memref<128x128xf32, #tpu.memory_space<hbm>>
        %dma_wait3A_504 = arith.constant 0 : i32
        %dma_wait3A_505 = arith.constant 0 : i32
        %dma_wait3A_506 = tpu.memref_slice %arg6[%dma_wait3A_492, %dma_wait3A_504, %dma_wait3A_505] : memref<5x128x128xf32, #tpu.memory_space<vmem>> -> memref<1x128x128xf32, #tpu.memory_space<vmem>>
        %dma_wait3A_507 = tpu.memref_squeeze %dma_wait3A_506 : memref<1x128x128xf32, #tpu.memory_space<vmem>> -> memref<128x128xf32, #tpu.memory_space<vmem>>
        tpu.wait_dma2 semaphore(%dma_wait3A_501 : memref<!tpu.dma_semaphore, #tpu.memory_space<semaphore_mem>>) src(%dma_wait3A_507 : memref<128x128xf32, #tpu.memory_space<vmem>>) dst(%dma_wait3A_503 : memref<128x128xf32, #tpu.memory_space<hbm>>)
        %add3A_508 = arith.constant 5 : i32
        %add3A_509 = arith.addi %mul3A_155, %add3A_508 : i32
        %add3A_510 = arith.constant 4 : i32
        %add3A_511 = arith.addi %add3A_509, %add3A_510 : i32
        %mul3A_512 = arith.constant 128 : i32
        %mul3A_513 = arith.muli %add3A_511, %mul3A_512 : i32
        %dma_start3A_514 = arith.constant 4 : i32
        %dma_start3A_515 = arith.constant 4 : i32
        %dma_start3A_516 = arith.constant 0 : i32
        %dma_start3A_517 = arith.constant 0 : i32
        %dma_start3A_518 = tpu.memref_slice %arg6[%dma_start3A_514, %dma_start3A_516, %dma_start3A_517] : memref<5x128x128xf32, #tpu.memory_space<vmem>> -> memref<1x128x128xf32, #tpu.memory_space<vmem>>
        %dma_start3A_519 = tpu.memref_squeeze %dma_start3A_518 : memref<1x128x128xf32, #tpu.memory_space<vmem>> -> memref<128x128xf32, #tpu.memory_space<vmem>>
        %dma_start3A_520 = tpu.memref_slice %arg5[%mul3A_513] : memref<6400xi32, #tpu.memory_space<vmem>> -> memref<128xi32, #tpu.memory_space<vmem>>
        %dma_start3A_521 = arith.constant 0 : i32
        %dma_start3A_522 = arith.constant 0 : i32
        %dma_start3A_523 = tpu.memref_slice %arg3[%dma_start3A_521, %dma_start3A_522] : memref<100000x128xf32, #tpu.memory_space<hbm>> -> memref<100000x128xf32, #tpu.memory_space<hbm>>
        %dma_start3A_524 = tpu.memref_slice %arg7[%dma_start3A_515] : memref<5x!tpu.dma_semaphore, #tpu.memory_space<semaphore_mem>> -> memref<1x!tpu.dma_semaphore, #tpu.memory_space<semaphore_mem>>
        %dma_start3A_525 = tpu.memref_squeeze %dma_start3A_524 : memref<1x!tpu.dma_semaphore, #tpu.memory_space<semaphore_mem>> -> memref<!tpu.dma_semaphore, #tpu.memory_space<semaphore_mem>>
        tpu.enqueue_indirect_dma source(%dma_start3A_523 : memref<100000x128xf32, #tpu.memory_space<hbm>>) target(%dma_start3A_519 : memref<128x128xf32, #tpu.memory_space<vmem>>) offsets(%dma_start3A_520 : memref<128xi32, #tpu.memory_space<vmem>>) semaphore(%dma_start3A_525 : memref<!tpu.dma_semaphore, #tpu.memory_space<semaphore_mem>>)
      } else {
      }
      %scan3A_355 = arith.constant 0 : i32
      scf.yield %scan3A_355 : i32
    }
    %scan3A_72 = arith.constant 10 : i32
    %dma_wait3A = arith.constant 0 : i32
    %dma_wait3A_73 = arith.constant 0 : i32
    %dma_wait3A_74 = arith.constant 0 : i32
    %dma_wait3A_75 = arith.constant 0 : i32
    %dma_wait3A_76 = tpu.memref_slice %arg6[%dma_wait3A, %dma_wait3A_74, %dma_wait3A_75] : memref<5x128x128xf32, #tpu.memory_space<vmem>> -> memref<1x128x128xf32, #tpu.memory_space<vmem>>
    %dma_wait3A_77 = tpu.memref_squeeze %dma_wait3A_76 : memref<1x128x128xf32, #tpu.memory_space<vmem>> -> memref<128x128xf32, #tpu.memory_space<vmem>>
    %dma_wait3A_78 = arith.constant 0 : i32
    %dma_wait3A_79 = tpu.memref_slice %arg4[%mul3A_2, %dma_wait3A_78] : memref<204800x128xf32, #tpu.memory_space<hbm>> -> memref<128x128xf32, #tpu.memory_space<hbm>>
    %dma_wait3A_80 = tpu.memref_slice %arg8[%dma_wait3A_73] : memref<5x!tpu.dma_semaphore, #tpu.memory_space<semaphore_mem>> -> memref<1x!tpu.dma_semaphore, #tpu.memory_space<semaphore_mem>>
    %dma_wait3A_81 = tpu.memref_squeeze %dma_wait3A_80 : memref<1x!tpu.dma_semaphore, #tpu.memory_space<semaphore_mem>> -> memref<!tpu.dma_semaphore, #tpu.memory_space<semaphore_mem>>
    %dma_wait3A_82 = arith.constant 0 : i32
    %dma_wait3A_83 = tpu.memref_slice %arg4[%mul3A_2, %dma_wait3A_82] : memref<204800x128xf32, #tpu.memory_space<hbm>> -> memref<128x128xf32, #tpu.memory_space<hbm>>
    %dma_wait3A_84 = arith.constant 0 : i32
    %dma_wait3A_85 = arith.constant 0 : i32
    %dma_wait3A_86 = tpu.memref_slice %arg6[%dma_wait3A, %dma_wait3A_84, %dma_wait3A_85] : memref<5x128x128xf32, #tpu.memory_space<vmem>> -> memref<1x128x128xf32, #tpu.memory_space<vmem>>
    %dma_wait3A_87 = tpu.memref_squeeze %dma_wait3A_86 : memref<1x128x128xf32, #tpu.memory_space<vmem>> -> memref<128x128xf32, #tpu.memory_space<vmem>>
    tpu.wait_dma2 semaphore(%dma_wait3A_81 : memref<!tpu.dma_semaphore, #tpu.memory_space<semaphore_mem>>) src(%dma_wait3A_87 : memref<128x128xf32, #tpu.memory_space<vmem>>) dst(%dma_wait3A_83 : memref<128x128xf32, #tpu.memory_space<hbm>>)
    %dma_wait3A_88 = arith.constant 1 : i32
    %dma_wait3A_89 = arith.constant 1 : i32
    %dma_wait3A_90 = arith.constant 0 : i32
    %dma_wait3A_91 = arith.constant 0 : i32
    %dma_wait3A_92 = tpu.memref_slice %arg6[%dma_wait3A_88, %dma_wait3A_90, %dma_wait3A_91] : memref<5x128x128xf32, #tpu.memory_space<vmem>> -> memref<1x128x128xf32, #tpu.memory_space<vmem>>
    %dma_wait3A_93 = tpu.memref_squeeze %dma_wait3A_92 : memref<1x128x128xf32, #tpu.memory_space<vmem>> -> memref<128x128xf32, #tpu.memory_space<vmem>>
    %dma_wait3A_94 = arith.constant 0 : i32
    %dma_wait3A_95 = tpu.memref_slice %arg4[%mul3A_2, %dma_wait3A_94] : memref<204800x128xf32, #tpu.memory_space<hbm>> -> memref<128x128xf32, #tpu.memory_space<hbm>>
    %dma_wait3A_96 = tpu.memref_slice %arg8[%dma_wait3A_89] : memref<5x!tpu.dma_semaphore, #tpu.memory_space<semaphore_mem>> -> memref<1x!tpu.dma_semaphore, #tpu.memory_space<semaphore_mem>>
    %dma_wait3A_97 = tpu.memref_squeeze %dma_wait3A_96 : memref<1x!tpu.dma_semaphore, #tpu.memory_space<semaphore_mem>> -> memref<!tpu.dma_semaphore, #tpu.memory_space<semaphore_mem>>
    %dma_wait3A_98 = arith.constant 0 : i32
    %dma_wait3A_99 = tpu.memref_slice %arg4[%mul3A_2, %dma_wait3A_98] : memref<204800x128xf32, #tpu.memory_space<hbm>> -> memref<128x128xf32, #tpu.memory_space<hbm>>
    %dma_wait3A_100 = arith.constant 0 : i32
    %dma_wait3A_101 = arith.constant 0 : i32
    %dma_wait3A_102 = tpu.memref_slice %arg6[%dma_wait3A_88, %dma_wait3A_100, %dma_wait3A_101] : memref<5x128x128xf32, #tpu.memory_space<vmem>> -> memref<1x128x128xf32, #tpu.memory_space<vmem>>
    %dma_wait3A_103 = tpu.memref_squeeze %dma_wait3A_102 : memref<1x128x128xf32, #tpu.memory_space<vmem>> -> memref<128x128xf32, #tpu.memory_space<vmem>>
    tpu.wait_dma2 semaphore(%dma_wait3A_97 : memref<!tpu.dma_semaphore, #tpu.memory_space<semaphore_mem>>) src(%dma_wait3A_103 : memref<128x128xf32, #tpu.memory_space<vmem>>) dst(%dma_wait3A_99 : memref<128x128xf32, #tpu.memory_space<hbm>>)
    %dma_wait3A_104 = arith.constant 2 : i32
    %dma_wait3A_105 = arith.constant 2 : i32
    %dma_wait3A_106 = arith.constant 0 : i32
    %dma_wait3A_107 = arith.constant 0 : i32
    %dma_wait3A_108 = tpu.memref_slice %arg6[%dma_wait3A_104, %dma_wait3A_106, %dma_wait3A_107] : memref<5x128x128xf32, #tpu.memory_space<vmem>> -> memref<1x128x128xf32, #tpu.memory_space<vmem>>
    %dma_wait3A_109 = tpu.memref_squeeze %dma_wait3A_108 : memref<1x128x128xf32, #tpu.memory_space<vmem>> -> memref<128x128xf32, #tpu.memory_space<vmem>>
    %dma_wait3A_110 = arith.constant 0 : i32
    %dma_wait3A_111 = tpu.memref_slice %arg4[%mul3A_2, %dma_wait3A_110] : memref<204800x128xf32, #tpu.memory_space<hbm>> -> memref<128x128xf32, #tpu.memory_space<hbm>>
    %dma_wait3A_112 = tpu.memref_slice %arg8[%dma_wait3A_105] : memref<5x!tpu.dma_semaphore, #tpu.memory_space<semaphore_mem>> -> memref<1x!tpu.dma_semaphore, #tpu.memory_space<semaphore_mem>>
    %dma_wait3A_113 = tpu.memref_squeeze %dma_wait3A_112 : memref<1x!tpu.dma_semaphore, #tpu.memory_space<semaphore_mem>> -> memref<!tpu.dma_semaphore, #tpu.memory_space<semaphore_mem>>
    %dma_wait3A_114 = arith.constant 0 : i32
    %dma_wait3A_115 = tpu.memref_slice %arg4[%mul3A_2, %dma_wait3A_114] : memref<204800x128xf32, #tpu.memory_space<hbm>> -> memref<128x128xf32, #tpu.memory_space<hbm>>
    %dma_wait3A_116 = arith.constant 0 : i32
    %dma_wait3A_117 = arith.constant 0 : i32
    %dma_wait3A_118 = tpu.memref_slice %arg6[%dma_wait3A_104, %dma_wait3A_116, %dma_wait3A_117] : memref<5x128x128xf32, #tpu.memory_space<vmem>> -> memref<1x128x128xf32, #tpu.memory_space<vmem>>
    %dma_wait3A_119 = tpu.memref_squeeze %dma_wait3A_118 : memref<1x128x128xf32, #tpu.memory_space<vmem>> -> memref<128x128xf32, #tpu.memory_space<vmem>>
    tpu.wait_dma2 semaphore(%dma_wait3A_113 : memref<!tpu.dma_semaphore, #tpu.memory_space<semaphore_mem>>) src(%dma_wait3A_119 : memref<128x128xf32, #tpu.memory_space<vmem>>) dst(%dma_wait3A_115 : memref<128x128xf32, #tpu.memory_space<hbm>>)
    %dma_wait3A_120 = arith.constant 3 : i32
    %dma_wait3A_121 = arith.constant 3 : i32
    %dma_wait3A_122 = arith.constant 0 : i32
    %dma_wait3A_123 = arith.constant 0 : i32
    %dma_wait3A_124 = tpu.memref_slice %arg6[%dma_wait3A_120, %dma_wait3A_122, %dma_wait3A_123] : memref<5x128x128xf32, #tpu.memory_space<vmem>> -> memref<1x128x128xf32, #tpu.memory_space<vmem>>
    %dma_wait3A_125 = tpu.memref_squeeze %dma_wait3A_124 : memref<1x128x128xf32, #tpu.memory_space<vmem>> -> memref<128x128xf32, #tpu.memory_space<vmem>>
    %dma_wait3A_126 = arith.constant 0 : i32
    %dma_wait3A_127 = tpu.memref_slice %arg4[%mul3A_2, %dma_wait3A_126] : memref<204800x128xf32, #tpu.memory_space<hbm>> -> memref<128x128xf32, #tpu.memory_space<hbm>>
    %dma_wait3A_128 = tpu.memref_slice %arg8[%dma_wait3A_121] : memref<5x!tpu.dma_semaphore, #tpu.memory_space<semaphore_mem>> -> memref<1x!tpu.dma_semaphore, #tpu.memory_space<semaphore_mem>>
    %dma_wait3A_129 = tpu.memref_squeeze %dma_wait3A_128 : memref<1x!tpu.dma_semaphore, #tpu.memory_space<semaphore_mem>> -> memref<!tpu.dma_semaphore, #tpu.memory_space<semaphore_mem>>
    %dma_wait3A_130 = arith.constant 0 : i32
    %dma_wait3A_131 = tpu.memref_slice %arg4[%mul3A_2, %dma_wait3A_130] : memref<204800x128xf32, #tpu.memory_space<hbm>> -> memref<128x128xf32, #tpu.memory_space<hbm>>
    %dma_wait3A_132 = arith.constant 0 : i32
    %dma_wait3A_133 = arith.constant 0 : i32
    %dma_wait3A_134 = tpu.memref_slice %arg6[%dma_wait3A_120, %dma_wait3A_132, %dma_wait3A_133] : memref<5x128x128xf32, #tpu.memory_space<vmem>> -> memref<1x128x128xf32, #tpu.memory_space<vmem>>
    %dma_wait3A_135 = tpu.memref_squeeze %dma_wait3A_134 : memref<1x128x128xf32, #tpu.memory_space<vmem>> -> memref<128x128xf32, #tpu.memory_space<vmem>>
    tpu.wait_dma2 semaphore(%dma_wait3A_129 : memref<!tpu.dma_semaphore, #tpu.memory_space<semaphore_mem>>) src(%dma_wait3A_135 : memref<128x128xf32, #tpu.memory_space<vmem>>) dst(%dma_wait3A_131 : memref<128x128xf32, #tpu.memory_space<hbm>>)
    %dma_wait3A_136 = arith.constant 4 : i32
    %dma_wait3A_137 = arith.constant 4 : i32
    %dma_wait3A_138 = arith.constant 0 : i32
    %dma_wait3A_139 = arith.constant 0 : i32
    %dma_wait3A_140 = tpu.memref_slice %arg6[%dma_wait3A_136, %dma_wait3A_138, %dma_wait3A_139] : memref<5x128x128xf32, #tpu.memory_space<vmem>> -> memref<1x128x128xf32, #tpu.memory_space<vmem>>
    %dma_wait3A_141 = tpu.memref_squeeze %dma_wait3A_140 : memref<1x128x128xf32, #tpu.memory_space<vmem>> -> memref<128x128xf32, #tpu.memory_space<vmem>>
    %dma_wait3A_142 = arith.constant 0 : i32
    %dma_wait3A_143 = tpu.memref_slice %arg4[%mul3A_2, %dma_wait3A_142] : memref<204800x128xf32, #tpu.memory_space<hbm>> -> memref<128x128xf32, #tpu.memory_space<hbm>>
    %dma_wait3A_144 = tpu.memref_slice %arg8[%dma_wait3A_137] : memref<5x!tpu.dma_semaphore, #tpu.memory_space<semaphore_mem>> -> memref<1x!tpu.dma_semaphore, #tpu.memory_space<semaphore_mem>>
    %dma_wait3A_145 = tpu.memref_squeeze %dma_wait3A_144 : memref<1x!tpu.dma_semaphore, #tpu.memory_space<semaphore_mem>> -> memref<!tpu.dma_semaphore, #tpu.memory_space<semaphore_mem>>
    %dma_wait3A_146 = arith.constant 0 : i32
    %dma_wait3A_147 = tpu.memref_slice %arg4[%mul3A_2, %dma_wait3A_146] : memref<204800x128xf32, #tpu.memory_space<hbm>> -> memref<128x128xf32, #tpu.memory_space<hbm>>
    %dma_wait3A_148 = arith.constant 0 : i32
    %dma_wait3A_149 = arith.constant 0 : i32
    %dma_wait3A_150 = tpu.memref_slice %arg6[%dma_wait3A_136, %dma_wait3A_148, %dma_wait3A_149] : memref<5x128x128xf32, #tpu.memory_space<vmem>> -> memref<1x128x128xf32, #tpu.memory_space<vmem>>
    %dma_wait3A_151 = tpu.memref_squeeze %dma_wait3A_150 : memref<1x128x128xf32, #tpu.memory_space<vmem>> -> memref<128x128xf32, #tpu.memory_space<vmem>>
    tpu.wait_dma2 semaphore(%dma_wait3A_145 : memref<!tpu.dma_semaphore, #tpu.memory_space<semaphore_mem>>) src(%dma_wait3A_151 : memref<128x128xf32, #tpu.memory_space<vmem>>) dst(%dma_wait3A_147 : memref<128x128xf32, #tpu.memory_space<hbm>>)
    return
  }
}

</mosaic_0001>

<sc_bundles>
// kernel: kernel.3.cloned.1.call-start
scs
__scs_entry_jumppad:
0x0: {  	(pc) =	sbr.rel $0x88, $3  }
0x1: {  	(tag) =	ssettag $0x0;
	lr =	simm.s32 $0x1  }
0x2: {  	[smem:$0x3F9F] =	sst lr;
	_ =	strace $0xD0000000  }
0x3: {  	_ = 	snop  }
0x4: {  	_ = 	snop  }
0x5: {  	_ = 	snop  }
0x6: {  	_ = 	snop  }
0x7: {  	_ = 	snop  }
__scs_overlays_trampoline_lowered:
0x8: {  	[smem:$0x3FAE] =	sst s0  }
0x9: {  	[smem:$0x3FAF] =	sst s1  }
0xa: {  	[smem:$0x3FB0] =	sst s2  }
0xb: {  	[smem:$0x3FB1] =	sst s3  }
0xc: {  	[smem:$0x3FB2] =	sst s4  }
0xd: {  	[smem:$0x3FB3] =	sst s5  }
0xe: {  	[smem:$0x3FB4] =	sst s6  }
0xf: {  	[smem:$0x3FB5] =	sst s7  }
0x10: {  	[smem:$0x3FB6] =	sst s8  }
0x11: {  	[smem:$0x3FB7] =	sst s9;
	s0 =	simm.s32 @!p0 $0x0  }
0x12: {  	s1 =	sld [smem:$0x3F9D];
	s0 =	simm.s32 @p0 $0x1  }
0x13: {  	[smem:$0x3FB8] =	sst s0;
	s0 =	simm.s32 @!p1 $0x0  }
0x14: {  	s2 =	sld [smem:$0x3F9C];
	s0 =	simm.s32 @p1 $0x1  }
0x15: {  	[smem:$0x3FB9] =	sst s0;
	s0 =	simm.s32 @!p2 $0x0  }
0x16: {  	s3 =	sld [smem:$0x3FDB];
	s0 =	simm.s32 @p2 $0x1  }
0x17: {  	s4 =	simm.s32 $0x1BF5;
	[smem:$0x3FBB] =	sst s0  }
0x18: {  	s0 =	sld [smem:$0x3F9E];
	_ =	swait.ge [sflag:s4], $0x0  }
0x19: {  	s7 =	sld [smem:$0x3F9F]  }
0x1a: {  	s8 =	sadd.s32 $0xFFFFE003, lr  }
0x1b: {  	s9 =	sadd.s32 $0xFFFFFEF7, lr;
	s5 =	simm.s32 $0xFFFFFFFF;
	p2 =	slt.u32 s8, $0xFFFFF086  }
0x1c: {  	p1 =	slt.u32 s9, $0xF7A;
	s5 =	simm.s32 @!p2 $0x0  }
0x1d: {  	s5 =	simm.s32 @p1 $0x1;
	p0 =	seq.s32 s7, s2  }
0x1e: {  	s7 =	smul.u32 @!p0 $0xF7A, s2;
	p2 =	seq.s32 @!p0 s5, $0x0  }
0x1f: {  	s9 =	smul.u32 $0xF7A, s1;
	s8 =	simm.s32 @!p0 $0x1BF5;
	p2 =	por !p2, p0  }
0x20: {  	[sflag:s8] =	ssyncset.s32 @!p0 $0xFFFFF086;
	s6 =	sadd.s32 @!p0 s3, s7;
	s7 =	simm.s32 @!p0 $0x108  }
0x21: {  	s3 =	sadd.s32 s3, s9;
	s6 =	sadd.s32 @!p0 $0x88, s6;
	s7 =	simm.s32 @p2 $0x1082  }
0x22: {  	[simem:s7], [sflag:s8] =	dma.local @!p0 [hbm:s6], $0xF7A  }
0x23: {  	s9 =	sor.u32 $0xD0000000, s2;
	s6 =	simm.s32 $0x108;
	_ =	swait.ge @!p0 [sflag:s8], $0x0  }
0x24: {  	s3 =	sadd.s32 $0x88, s3;
	s6 =	simm.s32 @!p1 $0x1082;
	[sflag:s4] =	ssyncset.s32 $0xFFFFF086  }
0x25: {  	[simem:s6], [sflag:s4] =	dma.local [hbm:s3], $0xF7A  }
0x26: {  	[smem:$0x3F9F] =	sst s1;
	(tag) =	ssettag s2;
	_ =	strace s9  }
0x27: {  	s1 =	sld [smem:$0x3FAF]  }
0x28: {  	s2 =	sld [smem:$0x3FB0]  }
0x29: {  	s4 =	sld [smem:$0x3FB2]  }
0x2a: {  	p0 =	seq.s32 s5, $0x0;
	s5 =	sld [smem:$0x3FB3]  }
0x2b: {  	s6 =	sld [smem:$0x3FB4]  }
0x2c: {  	s7 =	sld [smem:$0x3FB5]  }
0x2d: {  	s3 =	simm.s32 $0x108;
	s8 =	sld [smem:$0x3FB6]  }
0x2e: {  	s3 =	simm.s32 @!p0 $0x1082;
	s9 =	sld [smem:$0x3FB7]  }
0x2f: {  	lr =	sadd.s32 s0, s3;
	s0 =	sld [smem:$0x3FAE]  }
0x30: {  	s3 =	sld [smem:$0x3FB1]  }
0x31: {  	[smem:$0x3FBA] =	sst s10  }
0x32: {  	s10 =	sld [smem:$0x3FB8];
	_ =	sdelay $0x3  }
0x33: {  	p0 =	seq.s32 s10, $0x1;
	s10 =	sld [smem:$0x3FBA];
	_ =	sdelay $0x3  }
0x34: {  	[smem:$0x3FBA] =	sst s10  }
0x35: {  	s10 =	sld [smem:$0x3FB9];
	_ =	sdelay $0x3  }
0x36: {  	p1 =	seq.s32 s10, $0x1;
	s10 =	sld [smem:$0x3FBA];
	_ =	sdelay $0x3  }
0x37: {  	[smem:$0x3FBA] =	sst s10  }
0x38: {  	s10 =	sld [smem:$0x3FBB]  }
0x39: {  	_ = 	snop;
	(pc) =	sbr.ind lr, $3  }
0x3a: {  	_ = 	snop  }
0x3b: {  	_ = 	snop  }
0x3c: {  	p2 =	seq.s32 s10, $0x1;
	s10 =	sld [smem:$0x3FBA]  }
0x3d: {  	_ =	shalt  }
0x3e: {  	_ =	shalt  }
0x3f: {  	_ =	shalt  }
0x40: {  	_ =	shalt  }
0x41: {  	_ =	shalt  }
0x42: {  	_ =	shalt  }
0x43: {  	_ =	shalt  }
0x44: {  	_ =	shalt  }
0x45: {  	_ =	shalt  }
0x46: {  	_ =	shalt  }
0x47: {  	_ =	shalt  }
0x48: {  	_ =	shalt  }
0x49: {  	_ =	shalt  }
0x4a: {  	_ =	shalt  }
0x4b: {  	_ =	shalt  }
0x4c: {  	_ =	shalt  }
0x4d: {  	_ =	shalt  }
0x4e: {  	_ =	shalt  }
0x4f: {  	_ =	shalt  }
0x50: {  	_ =	shalt  }
0x51: {  	_ =	shalt  }
0x52: {  	_ =	shalt  }
0x53: {  	_ =	shalt  }
0x54: {  	_ =	shalt  }
0x55: {  	_ =	shalt  }
0x56: {  	_ =	shalt  }
0x57: {  	_ =	shalt  }
0x58: {  	_ =	shalt  }
0x59: {  	_ =	shalt  }
0x5a: {  	_ =	shalt  }
0x5b: {  	_ =	shalt  }
0x5c: {  	_ =	shalt  }
0x5d: {  	_ =	shalt  }
0x5e: {  	_ =	shalt  }
0x5f: {  	_ =	shalt  }
0x60: {  	_ =	shalt  }
0x61: {  	_ =	shalt  }
0x62: {  	_ =	shalt  }
0x63: {  	_ =	shalt  }
0x64: {  	_ =	shalt  }
0x65: {  	_ =	shalt  }
0x66: {  	_ =	shalt  }
0x67: {  	_ =	shalt  }
0x68: {  	_ =	shalt  }
0x69: {  	_ =	shalt  }
0x6a: {  	_ =	shalt  }
0x6b: {  	_ =	shalt  }
0x6c: {  	_ =	shalt  }
0x6d: {  	_ =	shalt  }
0x6e: {  	_ =	shalt  }
0x6f: {  	_ =	shalt  }
0x70: {  	_ =	shalt  }
0x71: {  	_ =	shalt  }
0x72: {  	_ =	shalt  }
0x73: {  	_ =	shalt  }
0x74: {  	_ =	shalt  }
0x75: {  	_ =	shalt  }
0x76: {  	_ =	shalt  }
0x77: {  	_ =	shalt  }
0x78: {  	_ =	shalt  }
0x79: {  	_ =	shalt  }
0x7a: {  	_ =	shalt  }
0x7b: {  	_ =	shalt  }
0x7c: {  	_ =	shalt  }
0x7d: {  	_ =	shalt  }
0x7e: {  	_ =	shalt  }
0x7f: {  	_ =	shalt  }
0x80: {  	_ =	shalt  }
0x81: {  	_ =	shalt  }
0x82: {  	_ =	shalt  }
0x83: {  	_ =	shalt  }
0x84: {  	_ =	shalt  }
0x85: {  	_ =	shalt  }
0x86: {  	_ =	shalt  }
0x87: {  	_ =	shalt  }
.Lfunc_end0:
.L_simem_size_0:
called_computation.1_lowered:
.L_overlay_start_0:
0x88: {  	s2 =	sld [smem:$0x3FD9]  }
0x89: {  	s3 =	sld [smem:$0x3FFE];
	_ =	sdelay $0x1  }
0x8a: {  	s1 =	srdreg.scid  }
0x8b: {  	s0 =	sand.u32 $0x1, s1  }
0x8c: {  	s17 =	sshll.u32 s0, $0xA;
	s2 =	sadd.s32 s3, s2  }
0x8d: {  	s2 =	sadd.s32 s2, s17  }
0x8e: {  	[smem:$0x3FC6] =	sst s2  }
0x8f: {  	_ = 	snop  }
0x90: {  	s2 =	sld [smem:$0x3FC8]  }
0x91: {  	s18 =	sld [smem:$0x3FD0];
	(tm) =	ssettm $0x1  }
0x92: {  	s4 =	sld [smem:$0x3FFB];
	_ =	sdelay $0x3  }
0x93: {  	_ =	strace s4  }
0x94: {  	s4 =	sld [smem:$0x3FFC];
	_ =	sdelay $0x3  }
0x95: {  	_ =	strace s4  }
0x96: {  	s4 =	sld [smem:$0x3FFD];
	_ =	sdelay $0x3  }
0x97: {  	_ =	strace s4  }
0x98: {  	_ =	strace $0x8FFFFFFF  }
0x99: {  	s19 =	sld [smem:$0x3FDB];
	_ =	sdelay $0x1  }
0x9a: {  	s5 =	simm.s32 $_scs_section_size  }
0x9b: {  	s6 =	simm.s32 $_size__tile_overlayer_lowered;
	s7 =	simm.s32 $_tile_overlayer_lowered  }
0x9c: {  	s22 =	simm.s32 $0x1BFF;
	s21 =	sshll.u32 s7, $0x1;
	s4 =	sadd.s32 s5, s19  }
0x9d: {  	s8 =	simm.s32 $0x0;
	s20 =	sshll.u32 s6, $0x1;
	s6 =	sadd.s32 s21, s4  }
0x9e: {  	[timem:s8], [sflag:s22] =	dma.local [hbm:s6], s20  }
0x9f: {  	_ =	swait.ge [sflag:s22], s20  }
0xa0: {  	s5 =	ssub.s32 $0x0, s20;
	[sflag:s22] =	ssyncset.done $0x0  }
0xa1: {  	[sflag:s22] =	ssyncadd.s32 s5;
	_ =	sdelay $0x1  }
0xa2: {  	s23 =	simm.s32 $0x1B8B  }
0xa3: {  	_ =	swait.ge [sflag:s23], $0x1  }
0xa4: {  	[sflag:s23] =	ssyncset.done $0x0  }
0xa5: {  	s25 =	simm.s32 $0x1B8E;
	s24 =	sld [smem:$0x3FFE];
	[sflag:s23] =	ssyncadd.s32 $0xFFFFFFFF  }
0xa6: {  	s26 =	simm.s32 $execute0_lowered;
	[smem:$0x3FD2] =	sst s25  }
0xa7: {  	s6 =	sshll.u32 s26, $0x1;
	_ =	strace $0x80000046;
	[dreg:$0x1] =	wrdreg $0xFFFFFFFF  }
0xa8: {  	s28 =	simm.s32 $_size_execute0_lowered;
	s4 =	sadd.s32 s4, s6;
	[dreg:$0x0] =	wrdreg $0x0  }
0xa9: {  	s6 =	sshll.u32 s28, $0x1;
	[dreg:$0x2] =	wrdreg s4  }
0xaa: {  	[dreg:$0x3] =	wrdreg s6  }
0xab: {  	[dreg:$0x4] =	wrdreg $0xC0  }
0xac: {  	_ =	task [dreg:s8], $0x5FFFF  }
0xad: {  	[dreg:$0x1] =	wrdreg $0xFFFFFFFF  }
0xae: {  	[dreg:$0x0] =	wrdreg $0x60  }
0xaf: {  	[dreg:$0x2] =	wrdreg s24  }
0xb0: {  	[dreg:$0x3] =	wrdreg s2  }
0xb1: {  	[dreg:$0x4] =	wrdreg s18  }
0xb2: {  	[dreg:$0x5] =	wrdreg $0x9  }
0xb3: {  	_ =	task.clear_ibuf [dreg:s8], $0x6FFFF;
	_ =	strace $0x90000046  }
0xb4: {  	s29 =	simm.s32 $0x9;
	_ =	strace $0x80000048  }
0xb5: {  	_ =	swait.ge [sflag:s29], $0x1  }
0xb6: {  	[sflag:s29] =	ssyncadd.s32 $0xFFFFFFFF  }
0xb7: {  	_ =	strace $0x90000048  }
0xb8: {  	_ =	sfence  }
0xb9: {  	s30 =	sld [smem:$0x0];
	_ =	sdelay $0x2  }
0xba: {  	s31 =	sshll.u32 s1, $0xD;
	s1 =	sshrl.u32 s1, $0x2  }
0xbb: {  	s3 =	sand.u32 $0x4000, s31;
	s1 =	sadd.s32 s1, s30  }
0xbc: {  	s0 =	sor.u32 s3, s0;
	s1 =	sshll.u32 s1, $0x11  }
0xbd: {  	s0 =	sor.u32 s1, s0  }
0xbe: {  	s0 =	sadd.s32 $0x8F2B, s0  }
0xbf: {  	[sflag:s0] =	ssyncadd.remote.s32 $0x1  }
0xc0: {  	_ =	sfence.sel $0xFFFF  }
0xc1: {  	[dreg:$0x0] =	wrdreg $0xFFFFFFFF;
	(pc) =	sbr.abs _section_cstart, $3  }
0xc2: {  	[dreg:$0x1] =	wrdreg $0xFFFFFFFF  }
0xc3: {  	_ =	task.clear_ibuf [dreg:s8], $0x2FFFF;
	_ =	strace $0x9FFFFFFF  }
0xc4: {  	(tm) =	ssettm $0x7FFFFFFF  }
0xc5: {  	_ =	shalt  }
tec
execute0_lowered:
.L_overlay_start_1:
0x0: {  	(tag) =	ssettag $0x1  }
0x1: {  	s4 =	rddreg [dreg:$0x0]  }
0x2: {  	s1 =	srdreg.scid;
	s2 =	rddreg [dreg:$0x1]  }
0x3: {  	s0 =	stileid.u32;
	s6 =	rddreg [dreg:$0x2]  }
0x4: {  	s3 =	simm.s32 $0x0;
	s12 =	simm.s32 $0x9900;
	s13 =	simm.s32 $0x180  }
0x5: {  	s14 =	simm.s32 $0xD900;
	s15 =	simm.s32 $0x200;
	s16 =	simm.s32 $0x11900  }
0x6: {  	s17 =	simm.s32 $0x1;
	s18 =	simm.s32 $0x2;
	s19 =	simm.s32 $0x3  }
0x7: {  	s20 =	simm.s32 $0x4;
	s21 =	simm.s32 $0x5;
	s22 =	simm.s32 $0x6  }
0x8: {  	s23 =	simm.s32 $0x7;
	s24 =	simm.s32 $0x8;
	s25 =	simm.s32 $0x9  }
0x9: {  	s26 =	simm.s32 $0xA;
	s28 =	simm.s32 $0x0;
	s5 =	sand.u32 $0x1, s1  }
0xa: {  	s30 =	sshll.u32 s0, $0x1;
	[smem:$0x7FF] =	sst s3;
	s8 =	smul.u32 $0x32000, s0  }
0xb: {  	s7 =	sor.u32 s5, s30;
	s9 =	ssub.s32 $0x2, s5;
	s5 =	smul.u32 $0x19000, s5  }
0xc: {  	_ =	strace $0x80000047;
	s7 =	smul.u32 $0x1900, s7;
	s10 =	sshrl.u32 s9, $0x1  }
0xd: {  	s6 =	sadd.s32 s8, s6;
	s8 =	simm.s32 $0x80;
	s31 =	ssub.s32 s9, s10  }
0xe: {  	s6 =	sadd.s32 s5, s6;
	s9 =	simm.s32 $0x1900;
	s7 =	sshrl.u32 s7, $0x3  }
0xf: {  	s10 =	simm.s32 $0x5900;
	s5 =	smax.u32 s31, $0x1;
	s4 =	sadd.s32 s7, s4  }
0x10: {  	s6 =	sadd.s32 $0x2000, s6;
	s7 =	simm.s32 $0xB;
	s4 =	sadd.s32 $0x800, s4  }
.LBB2_1:
0x11: {  	[tilespmem:s3], [sflag:$0xB] =	stream.linear.gather [hbm4b:s4+s3], $0x1900, $0x38;
	[tilespmem:$0x15900] =	vst v63  }
0x12: {  	_ =	swait.ge [sflag:s7], $0x1900  }
0x13: {  	[sflag:s7] =	ssyncset.done $0x0  }
0x14: {  	[sflag:s7] =	ssyncadd.s32 $0xFFFFE700  }
0x15: {  	[tilespmem:s9], [sflag:$0x1] =	stream.indirect.gather [hbm4b:s2+s8], $0x80, s3, s8, $0xb8;
	[tilespmem:$0x15900] =	vst v63  }
0x16: {  	_ = 	snop  }
0x17: {  	[tilespmem:s10], [sflag:$0x2] =	stream.indirect.gather [hbm4b:s2+s8], $0x80, s8, s8, $0xb8;
	[tilespmem:$0x15900] =	vst v63  }
0x18: {  	s0 =	simm.s32 $0x100  }
0x19: {  	[tilespmem:s12], [sflag:$0x3] =	stream.indirect.gather [hbm4b:s2+s8], $0x80, s0, s8, $0xb8;
	[tilespmem:$0x15900] =	vst v63  }
0x1a: {  	_ = 	snop  }
0x1b: {  	[tilespmem:s14], [sflag:$0x4] =	stream.indirect.gather [hbm4b:s2+s8], $0x80, s13, s8, $0xb8;
	[tilespmem:$0x15900] =	vst v63  }
0x1c: {  	s29 =	smov.u32 s6;
	s30 =	simm.s32 $0x0  }
0x1d: {  	[tilespmem:s16], [sflag:$0x5] =	stream.indirect.gather [hbm4b:s2+s8], $0x80, s15, s8, $0xb8;
	[tilespmem:$0x15900] =	vst v63  }
.LBB2_2:
0x1e: {  	_ =	swait.ge [sflag:s17], $0x4000  }
0x1f: {  	[sflag:s17] =	ssyncset.done $0x0  }
0x20: {  	s31 =	sadd.s32 $0xFFFFE000, s29;
	[sflag:s17] =	ssyncadd.s32 $0xFFFFC000  }
0x21: {  	[hbm4b:s31+s3] =	stream.linear.scatter [tilespmem:s9], [sflag:$0x6], $0x4000, $0x38;
	[tilespmem:$0x15900] =	vst v63  }
0x22: {  	_ =	swait.ge [sflag:s18], $0x4000  }
0x23: {  	[sflag:s18] =	ssyncset.done $0x0  }
0x24: {  	s0 =	sadd.s32 $0xFFFFE800, s29;
	[sflag:s18] =	ssyncadd.s32 $0xFFFFC000  }
0x25: {  	[hbm4b:s0+s3] =	stream.linear.scatter [tilespmem:s10], [sflag:$0x7], $0x4000, $0x38;
	[tilespmem:$0x15900] =	vst v63  }
0x26: {  	_ =	swait.ge [sflag:s19], $0x4000  }
0x27: {  	[sflag:s19] =	ssyncset.done $0x0  }
0x28: {  	s1 =	sadd.s32 $0xFFFFF000, s29;
	[sflag:s19] =	ssyncadd.s32 $0xFFFFC000  }
0x29: {  	[hbm4b:s1+s3] =	stream.linear.scatter [tilespmem:s12], [sflag:$0x8], $0x4000, $0x38;
	[tilespmem:$0x15900] =	vst v63  }
0x2a: {  	_ =	swait.ge [sflag:s20], $0x4000  }
0x2b: {  	[sflag:s20] =	ssyncset.done $0x0  }
0x2c: {  	s11 =	sadd.s32 $0xFFFFF800, s29;
	[sflag:s20] =	ssyncadd.s32 $0xFFFFC000  }
0x2d: {  	[hbm4b:s11+s3] =	stream.linear.scatter [tilespmem:s14], [sflag:$0x9], $0x4000, $0x38;
	[tilespmem:$0x15900] =	vst v63  }
0x2e: {  	_ =	swait.ge [sflag:s21], $0x4000  }
0x2f: {  	p0 =	seq.s32 s30, $0x5A00;
	[sflag:s21] =	ssyncset.done $0x0  }
0x30: {  	s31 =	simm.s32 @!p0 $0x6;
	[sflag:s21] =	ssyncadd.s32 $0xFFFFC000  }
0x31: {  	[hbm4b:s29+s3] =	stream.linear.scatter [tilespmem:s16], [sflag:$0xA], $0x4000, $0x38;
	[tilespmem:$0x15900] =	vst v63  }
0x32: {  	_ =	swait.ge @!p0 [sflag:s31], $0x4000  }
0x33: {  	[sflag:s31] =	ssyncset.done @!p0 $0x0  }
0x34: {  	[sflag:s31] =	ssyncadd.s32 @!p0 $0xFFFFC000;
	s31 =	sshra.s32 @!p0 s30, $0x2  }
0x35: {  	s0 =	simm.s32 @!p0 $0x80;
	s11 =	simm.s32 @!p0 $0x1900;
	s1 =	sadd.s32 @!p0 $0x280, s31  }
0x36: {  	[tilespmem:s11], [sflag:$0x1] =	stream.indirect.gather @!p0 [hbm4b:s2+s0], $0x80, s1, s0, $0xb8;
	[tilespmem:$0x15900] =	vst v63  }
0x37: {  	s1 =	simm.s32 @!p0 $0x7  }
0x38: {  	_ =	swait.ge @!p0 [sflag:s1], $0x4000  }
0x39: {  	[sflag:s1] =	ssyncset.done @!p0 $0x0  }
0x3a: {  	s11 =	simm.s32 @!p0 $0x5900;
	[sflag:s1] =	ssyncadd.s32 @!p0 $0xFFFFC000;
	s1 =	sadd.s32 @!p0 $0x300, s31  }
0x3b: {  	[tilespmem:s11], [sflag:$0x2] =	stream.indirect.gather @!p0 [hbm4b:s2+s0], $0x80, s1, s0, $0xb8;
	[tilespmem:$0x15900] =	vst v63  }
0x3c: {  	s1 =	simm.s32 @!p0 $0x8  }
0x3d: {  	_ =	swait.ge @!p0 [sflag:s1], $0x4000  }
0x3e: {  	[sflag:s1] =	ssyncset.done @!p0 $0x0  }
0x3f: {  	s11 =	simm.s32 @!p0 $0x9900;
	[sflag:s1] =	ssyncadd.s32 @!p0 $0xFFFFC000;
	s1 =	sadd.s32 @!p0 $0x380, s31  }
0x40: {  	[tilespmem:s11], [sflag:$0x3] =	stream.indirect.gather @!p0 [hbm4b:s2+s0], $0x80, s1, s0, $0xb8;
	[tilespmem:$0x15900] =	vst v63  }
0x41: {  	s30 =	sadd.s32 @!p0 $0xA00, s30;
	s1 =	simm.s32 @!p0 $0x9  }
0x42: {  	p1 =	sne.s32 @!p0 s30, $0x6400;
	_ =	swait.ge @!p0 [sflag:s1], $0x4000  }
0x43: {  	p1 =	por p0, !p1;
	[sflag:s1] =	ssyncset.done @!p0 $0x0  }
0x44: {  	s11 =	simm.s32 @!p0 $0xD900;
	[sflag:s1] =	ssyncadd.s32 @!p0 $0xFFFFC000;
	s1 =	sadd.s32 @!p0 $0x400, s31  }
0x45: {  	[tilespmem:s11], [sflag:$0x4] =	stream.indirect.gather @!p0 [hbm4b:s2+s0], $0x80, s1, s0, $0xb8;
	[tilespmem:$0x15900] =	vst v63  }
.Ltmp0:
0x46: {  	s1 =	simm.s32 @!p0 $0xA;
	(pc) =	sbr.rel @!p1 .LBB2_2-.Ltmp0, $4  }
0x47: {  	_ =	swait.ge @!p0 [sflag:s1], $0x4000  }
0x48: {  	s29 =	sadd.s32 @!p0 $0x2800, s29;
	[sflag:s1] =	ssyncset.done @!p0 $0x0  }
0x49: {  	s11 =	simm.s32 @!p0 $0x11900;
	[sflag:s1] =	ssyncadd.s32 @!p0 $0xFFFFC000;
	s1 =	sadd.s32 @!p0 $0x480, s31  }
0x4a: {  	[tilespmem:s11], [sflag:$0x5] =	stream.indirect.gather @!p0 [hbm4b:s2+s0], $0x80, s1, s0, $0xb8;
	[tilespmem:$0x15900] =	vst v63  }
0x4b: {  	_ =	swait.ge [sflag:s22], $0x4000  }
0x4c: {  	[sflag:s22] =	ssyncset.done $0x0  }
0x4d: {  	[sflag:s22] =	ssyncadd.s32 $0xFFFFC000  }
0x4e: {  	_ =	swait.ge [sflag:s23], $0x4000  }
0x4f: {  	[sflag:s23] =	ssyncset.done $0x0  }
0x50: {  	[sflag:s23] =	ssyncadd.s32 $0xFFFFC000  }
0x51: {  	_ =	swait.ge [sflag:s24], $0x4000  }
0x52: {  	[sflag:s24] =	ssyncset.done $0x0  }
0x53: {  	s28 =	sadd.s32 $0x1, s28;
	[sflag:s24] =	ssyncadd.s32 $0xFFFFC000  }
0x54: {  	p0 =	sne.s32 s28, s5;
	_ =	swait.ge [sflag:s25], $0x4000  }
.Ltmp1:
0x55: {  	[sflag:s25] =	ssyncset.done $0x0;
	(pc) =	sbr.rel @p0 .LBB2_1-.Ltmp1, $4  }
0x56: {  	[sflag:s25] =	ssyncadd.s32 $0xFFFFC000  }
0x57: {  	_ =	swait.ge [sflag:s26], $0x4000  }
0x58: {  	[sflag:s26] =	ssyncset.done $0x0  }
0x59: {  	[sflag:s26] =	ssyncadd.s32 $0xFFFFC000  }
0x5a: {  	_ =	sfence.sel $0x180000  }
0x5b: {  	[bflag:$0x0] =	sbarrier.arrive $0xFFFF  }
0x5c: {  	_ =	strace $0x90000047  }
0x5d: {  	s0 =	stileid.u32;
	[bflag:$0x2] =	sbarrier.arrive $0xFFFF  }
0x5e: {  	p0 =	sne.s32 s0, $0x0;
	s0 =	rddreg [dreg:$0x3]  }
0x5f: {  	s0 =	sadd.s32 @!p0 $0x100000, s0  }
0x60: {  	[sflag:s0] =	ssyncadd.tile.s32 @!p0 $0x1;
	_ =	shalt  }
.Lfunc_end2:
_tile_overlayer_lowered:
.L_overlay_start_2:
0x61: {  	(tag) =	ssettag $0x2  }
0x62: {  	s0 =	rddreg [dreg:$0x0];
	s2 =	stileid.u32  }
0x63: {  	s1 =	rddreg [dreg:$0x1];
	p0 =	sne.s32 s2, $0x0  }
0x64: {  	s3 =	rddreg [dreg:$0x2];
	[bflag:$0x3] =	sbarrier.arrive $0xFFFF;
	s2 =	simm.s32 @!p0 $0x1C0B  }
0x65: {  	[timem:s3], [sflag:s2] =	dma.local @!p0 [hbm:s0], s1  }
0x66: {  	s0 =	simm.s32 @!p0 $0xB  }
0x67: {  	_ =	swait.ge @!p0 [sflag:s0], s1  }
0x68: {  	s1 =	ssub.s32 @!p0 $0x0, s1;
	[sflag:s0] =	ssyncset.done @!p0 $0x0  }
0x69: {  	[sflag:s0] =	ssyncadd.s32 @!p0 s1  }
0x6a: {  	[bflag:$0x3] =	sbarrier.arrive $0xFFFF  }
0x6b: {  	_ =	shalt  }

// kernel: sparse-core-data-format-call.cloned.1.call-start
scs
called_computation_lowered:
.L_overlay_start_0:
0x0: {  	s2 =	sld [smem:$0x3FD9]  }
0x1: {  	s3 =	sld [smem:$0x3FFE];
	_ =	sdelay $0x1  }
0x2: {  	s1 =	srdreg.scid  }
0x3: {  	s0 =	sand.u32 $0x1, s1  }
0x4: {  	s18 =	sshll.u32 s0, $0xA;
	s2 =	sadd.s32 s3, s2  }
0x5: {  	s2 =	sadd.s32 s2, s18  }
0x6: {  	[smem:$0x3FC6] =	sst s2  }
0x7: {  	_ = 	snop  }
0x8: {  	s2 =	sld [smem:$0x3FD0];
	(tm) =	ssettm $0x1  }
0x9: {  	s19 =	sld [smem:$0x3FFB];
	_ =	sdelay $0x3  }
0xa: {  	_ =	strace s19  }
0xb: {  	s3 =	sld [smem:$0x3FFC];
	_ =	sdelay $0x3  }
0xc: {  	_ =	strace s3  }
0xd: {  	s3 =	sld [smem:$0x3FFD];
	_ =	sdelay $0x3  }
0xe: {  	_ =	strace s3  }
0xf: {  	_ =	strace $0x8FFFFFFF  }
0x10: {  	s20 =	sld [smem:$0x3FDB];
	_ =	sdelay $0x1  }
0x11: {  	s4 =	simm.s32 $_scs_section_size  }
0x12: {  	s5 =	simm.s32 $_size__tile_overlayer_lowered;
	s6 =	simm.s32 $_tile_overlayer_lowered  }
0x13: {  	s23 =	simm.s32 $0x1BFF;
	s22 =	sshll.u32 s6, $0x1;
	s3 =	sadd.s32 s4, s20  }
0x14: {  	s7 =	simm.s32 $0x0;
	s21 =	sshll.u32 s5, $0x1;
	s5 =	sadd.s32 s22, s3  }
0x15: {  	[timem:s7], [sflag:s23] =	dma.local [hbm:s5], s21  }
0x16: {  	_ =	swait.ge [sflag:s23], s21  }
0x17: {  	s4 =	ssub.s32 $0x0, s21;
	[sflag:s23] =	ssyncset.done $0x0  }
0x18: {  	[sflag:s23] =	ssyncadd.s32 s4;
	_ =	sdelay $0x1  }
0x19: {  	s24 =	simm.s32 $0x1B8B  }
0x1a: {  	_ =	swait.ge [sflag:s24], $0x1  }
0x1b: {  	[sflag:s24] =	ssyncset.done $0x0  }
0x1c: {  	s26 =	simm.s32 $0x1B8E;
	s25 =	sld [smem:$0x3FFE];
	[sflag:s24] =	ssyncadd.s32 $0xFFFFFFFF  }
0x1d: {  	s27 =	simm.s32 $execute0_lowered;
	[smem:$0x3FD2] =	sst s26  }
0x1e: {  	s5 =	sshll.u32 s27, $0x1;
	_ =	strace $0x80000049;
	[dreg:$0x1] =	wrdreg $0xFFFFFFFF  }
0x1f: {  	s28 =	simm.s32 $_size_execute0_lowered;
	s3 =	sadd.s32 s3, s5;
	[dreg:$0x0] =	wrdreg $0x0  }
0x20: {  	s5 =	sshll.u32 s28, $0x1;
	[dreg:$0x2] =	wrdreg s3  }
0x21: {  	[dreg:$0x3] =	wrdreg s5  }
0x22: {  	[dreg:$0x4] =	wrdreg $0xC0  }
0x23: {  	_ =	task [dreg:s7], $0x5FFFF  }
0x24: {  	[dreg:$0x1] =	wrdreg $0xFFFFFFFF  }
0x25: {  	[dreg:$0x0] =	wrdreg $0x60  }
0x26: {  	[dreg:$0x2] =	wrdreg s25  }
0x27: {  	[dreg:$0x3] =	wrdreg s2  }
0x28: {  	[dreg:$0x4] =	wrdreg $0x9  }
0x29: {  	_ =	task.clear_ibuf [dreg:s7], $0x5FFFF;
	_ =	strace $0x90000049  }
0x2a: {  	s29 =	simm.s32 $0x9;
	_ =	strace $0x8000004B  }
0x2b: {  	_ =	swait.ge [sflag:s29], $0x1  }
0x2c: {  	[sflag:s29] =	ssyncadd.s32 $0xFFFFFFFF  }
0x2d: {  	_ =	strace $0x9000004B  }
0x2e: {  	_ =	sfence  }
0x2f: {  	s30 =	sld [smem:$0x0];
	_ =	sdelay $0x2  }
0x30: {  	s31 =	sshll.u32 s1, $0xD;
	s1 =	sshrl.u32 s1, $0x2  }
0x31: {  	s3 =	sand.u32 $0x4000, s31;
	s1 =	sadd.s32 s1, s30  }
0x32: {  	s0 =	sor.u32 s3, s0;
	s1 =	sshll.u32 s1, $0x11  }
0x33: {  	s0 =	sor.u32 s1, s0  }
0x34: {  	s0 =	sadd.s32 $0x8F2B, s0  }
0x35: {  	[sflag:s0] =	ssyncadd.remote.s32 $0x1  }
0x36: {  	_ =	sfence.sel $0xFFFF  }
0x37: {  	[dreg:$0x0] =	wrdreg $0xFFFFFFFF;
	(pc) =	sbr.abs _section_cstart, $3  }
0x38: {  	[dreg:$0x1] =	wrdreg $0xFFFFFFFF  }
0x39: {  	_ =	task.clear_ibuf [dreg:s7], $0x2FFFF;
	_ =	strace $0x9FFFFFFF  }
0x3a: {  	(tm) =	ssettm $0x7FFFFFFF  }
0x3b: {  	_ =	shalt  }
tec
execute0_lowered:
.L_overlay_start_1:
0x0: {  	(tag) =	ssettag $0x1  }
0x1: {  	s0 =	srdreg.scid  }
0x2: {  	s1 =	sshll.u32 s0, $0x4  }
0x3: {  	s0 =	stileid.u32;
	s1 =	sand.u32 $0x10, s1  }
0x4: {  	s1 =	sor.u32 s0, s1  }
0x5: {  	s6 =	rddreg [dreg:$0x0];
	s4 =	simm.s32 $0x1;
	s2 =	sshll.u32 s1, $0x6  }
0x6: {  	s7 =	simm.s32 $0x2;
	s13 =	simm.s32 $0x0;
	s1 =	ssub.s32 $0x1000, s2  }
0x7: {  	s8 =	simm.s32 $0x2000;
	s9 =	simm.s32 $0x80000;
	s3 =	sand.u32 $0x7C0, s1  }
0x8: {  	s14 =	simm.s32 $0x0;
	s5 =	sshrl.u32 s1, $0xB;
	p0 =	sne.s32 s3, $0x0  }
.Ltmp0:
0x9: {  	s1 =	rddreg [dreg:$0x2];
	s4 =	simm.s32 @!p0 $0x0;
	(pc) =	sbr.rel .LBB1_1-.Ltmp0, $4  }
0xa: {  	s10 =	simm.s32 $0x0;
	s3 =	rddreg [dreg:$0x1];
	s5 =	sadd.s32 s4, s5  }
0xb: {  	_ =	strace $0x8000004A;
	s4 =	simm.s32 $0x1;
	s5 =	smul.u32 $0x19, s5  }
0xc: {  	s12 =	simm.s32 $0x0;
	s6 =	sadd.s32 $0x800, s6;
	[sflag:s4] =	ssyncpa.u1 $0x0  }
0xd: {  	s11 =	smov.u32 s2;
	[sflag:s7] =	ssyncpa.u1 $0x0;
	s7 =	sadd.s32 $0x1, s5  }
.LBB1_7:
0xe: {  	s15 =	sadd.s32 $0x2, s10  }
0xf: {  	s13 =	sadd.s32 $0x800, s11;
	s17 =	smov.u32 s11;
	p1 =	sgt.s32 s15, $0x31  }
0x10: {  	s17 =	smov.u32 @p1 s13  }
0x11: {  	s15 =	simm.s32 @p1 $0x0;
	p1 =	sgt.s32 s17, $0xFFF  }
0x12: {  	s17 =	smov.u32 @p1 s2;
	p1 =	sne.s32 s12, s7  }
.Ltmp1:
0x13: {  	p0 =	slt.u32 s12, $0x2;
	(pc) =	sbr.rel @!p1 .LBB1_8-.Ltmp1, $4  }
0x14: {  	s16 =	simm.s32 @!p0 $0x2  }
0x15: {  	s14 =	smov.u32 s11;
	_ =	swait.ge @!p0 [sflag:s16], $0x4000  }
0x16: {  	s13 =	smov.u32 s10;
	[sflag:s16] =	ssyncset.done @!p0 $0x0;
	s10 =	smov.u32 s15  }
0x17: {  	s12 =	sadd.s32 $0x1, s12;
	[sflag:s16] =	ssyncadd.s32 @!p0 $0xFFFFC000;
	s11 =	smov.u32 s17  }
.LBB1_1:
0x18: {  	p0 =	sge.u32 s12, s5  }
0x19: {  	s15 =	sand.u32 @!p0 $0x1FFFFFF, s10  }
0x1a: {  	s16 =	smulhi.u32 @!p0 $0x4924925, s15;
	_ =	sdelay $0x1  }
0x1b: {  	s16 =	smul.u32 @!p0 $0x38, s16  }
0x1c: {  	s17 =	sxor.u32 @!p0 $0xFFFFFFFF, s12;
	s18 =	smul.u32 @!p0 $0x380, s11  }
0x1d: {  	s31 =	sadd.s32 $0xFFFFFFFF, s12;
	s17 =	sshll.u32 @!p0 s17, $0xE;
	s15 =	ssub.s32 @!p0 s15, s16  }
0x1e: {  	s16 =	sand.u32 @!p0 $0x4000, s17;
	s17 =	sadd.s32 @!p0 s6, s18;
	s15 =	sshll.u32 @!p0 s15, $0x4  }
0x1f: {  	s18 =	simm.s32 @!p0 $0x1C00;
	s15 =	sadd.s32 @!p0 s15, s17;
	s17 =	simm.s32 @!p0 $0x100  }
0x20: {  	[tilespmem:s16], [sflag:$0x1] =	stream.strided.gather @!p0 [hbm4b:s15+s17], $0x4000, s18, s17, $0x38;
	[tilespmem:$0x10000] =	vst v63  }
0x21: {  	p0 =	sge.u32 s31, s5  }
.Ltmp2:
0x22: {  	_ = 	snop;
	(pc) =	sbr.rel @p0 .LBB1_7-.Ltmp2, $1  }
0x23: {  	_ =	sdelay $0x3  }
0x24: {  	_ =	swait.ge [sflag:s4], $0x4000;
	s15 =	sshll.u32 s12, $0xE  }
0x25: {  	[sflag:s4] =	ssyncset.done $0x0;
	s16 =	sand.u32 $0x4000, s15  }
0x26: {  	s17 =	simm.s32 $0x0;
	[sflag:s4] =	ssyncadd.s32 $0xFFFFC000;
	s15 =	sor.u32 $0x8000, s16  }
.LBB1_3:
0x27: {  	s18 =	sshll.u32 s17, $0x8  }
0x28: {  	s18 =	sand.u32 $0x3FFFFF00, s18  }
0x29: {  	s19 =	sshll.u32 s17, $0x7;
	s18 =	sadd.s32 s18, s16  }
0x2a: {  	s19 =	sand.u32 $0x3FFFFF80, s19;
	v0 =	vmov s18  }
0x2b: {  	s19 =	sadd.s32 s19, s15  }
0x2c: {  	p0 =	por $0x1, $0x1;
	v1 =	vmov s19;
	s18 =	simm.s32 $0x0  }
.LBB1_4:
0x2d: {  	s19 =	sshll.u32 s18, $0x7  }
0x2e: {  	s19 =	sand.u32 $0x3FFFFF80, s19  }
0x2f: {  	v2 =	vld.idx.msk [tilespmem:v0+s19+$0x0 ss:$0x1], $0xffff  }
0x30: {  	v3 =	vld.idx.msk [tilespmem:v0+s19+$0x10 ss:$0x1], $0xffff  }
0x31: {  	v4 =	vld.idx.msk [tilespmem:v0+s19+$0x20 ss:$0x1], $0xffff  }
0x32: {  	s31 =	sshll.u32 s18, $0xD;
	v5 =	vld.idx.msk [tilespmem:v0+s19+$0x30 ss:$0x1], $0xffff  }
0x33: {  	s18 =	sand.u32 $0x3FFFE000, s31;
	v6 =	vld.idx.msk [tilespmem:v0+s19+$0x40 ss:$0x1], $0xffff  }
0x34: {  	v63 =	vld.idx.msk [tilespmem:v0+s19+$0x70 ss:$0x1], $0xffff;
	[tilespmem:v1+s18+$0x0 ss:$0x1] =	vst.idx.msk $0xffff, v2  }
0x35: {  	v2 =	vld.idx.msk [tilespmem:v0+s19+$0x50 ss:$0x1], $0xffff;
	[tilespmem:v1+s18+$0x10 ss:$0x1] =	vst.idx.msk $0xffff, v3  }
0x36: {  	p1 =	por p0, p0;
	v3 =	vld.idx.msk [tilespmem:v0+s19+$0x60 ss:$0x1], $0xffff;
	[tilespmem:v1+s18+$0x20 ss:$0x1] =	vst.idx.msk $0xffff, v4  }
.Ltmp3:
0x37: {  	[tilespmem:v1+s18+$0x30 ss:$0x1] =	vst.idx.msk $0xffff, v5;
	(pc) =	sbr.rel @p1 .LBB1_4-.Ltmp3, $4  }
0x38: {  	[tilespmem:v1+s18+$0x40 ss:$0x1] =	vst.idx.msk $0xffff, v6  }
0x39: {  	[tilespmem:v1+s18+$0x70 ss:$0x1] =	vst.idx.msk $0xffff, v63  }
0x3a: {  	[tilespmem:v1+s18+$0x50 ss:$0x1] =	vst.idx.msk $0xffff, v2  }
0x3b: {  	p0 =	por $0x0, $0x0;
	[tilespmem:v1+s18+$0x60 ss:$0x1] =	vst.idx.msk $0xffff, v3;
	s18 =	simm.s32 $0x1  }
0x3c: {  	s17 =	sadd.s32 $0x1, s17  }
0x3d: {  	p0 =	sne.s32 s17, $0x40  }
.Ltmp4:
0x3e: {  	_ = 	snop;
	(pc) =	sbr.rel @p0 .LBB1_3-.Ltmp4, $1  }
0x3f: {  	_ =	sdelay $0x3  }
.Ltmp5:
0x40: {  	s14 =	sshll.u32 s14, $0x4;
	(pc) =	sbr.rel .LBB1_7-.Ltmp5, $4  }
0x41: {  	s14 =	sand.u32 $0xFFF0, s14  }
0x42: {  	s13 =	sshll.u32 s13, $0x10;
	s14 =	sadd.s32 s3, s14  }
0x43: {  	s13 =	sadd.s32 s13, s14  }
0x44: {  	[hbm4b:s13+s8] =	stream.strided.scatter [tilespmem:s15], [sflag:$0x2], $0x4000, s9, s8, $0x38;
	[tilespmem:$0x10000] =	vst v63  }
.LBB1_8:
0x45: {  	_ =	sfence.sel $0x180000  }
0x46: {  	s2 =	simm.s32 $0x1;
	[bflag:$0x0] =	sbarrier.arrive $0xFFFF  }
0x47: {  	s31 =	simm.s32 $0x2;
	[sflag:s2] =	ssyncpa.u1 $0x1  }
0x48: {  	[sflag:s31] =	ssyncpa.u1 $0x1  }
0x49: {  	p0 =	sne.s32 s0, $0x0;
	_ =	strace $0x9000004A  }
0x4a: {  	s0 =	sadd.s32 @!p0 $0x100000, s1;
	[bflag:$0x2] =	sbarrier.arrive $0xFFFF  }
0x4b: {  	[sflag:s0] =	ssyncadd.tile.s32 @!p0 $0x1;
	_ =	shalt  }
.Lfunc_end1:
_tile_overlayer_lowered:
.L_overlay_start_2:
0x4c: {  	(tag) =	ssettag $0x2  }
0x4d: {  	s0 =	rddreg [dreg:$0x0];
	s2 =	stileid.u32  }
0x4e: {  	s1 =	rddreg [dreg:$0x1];
	p0 =	sne.s32 s2, $0x0  }
0x4f: {  	s3 =	rddreg [dreg:$0x2];
	[bflag:$0x3] =	sbarrier.arrive $0xFFFF;
	s2 =	simm.s32 @!p0 $0x1C01  }
0x50: {  	[timem:s3], [sflag:s2] =	dma.local @!p0 [hbm:s0], s1  }
0x51: {  	s0 =	simm.s32 @!p0 $0x1  }
0x52: {  	_ =	swait.ge @!p0 [sflag:s0], s1  }
0x53: {  	s1 =	ssub.s32 @!p0 $0x0, s1;
	[sflag:s0] =	ssyncset.done @!p0 $0x0  }
0x54: {  	[sflag:s0] =	ssyncadd.s32 @!p0 s1  }
0x55: {  	[bflag:$0x3] =	sbarrier.arrive $0xFFFF  }
0x56: {  	_ =	shalt  }

</sc_bundles>
